<compile_context>
chip_gen: v7x
topology: tpu7x:2x2x1
jax: 0.10.2.dev20260603
libtpu: 0.0.44.dev20260713+nightly
codegen_flags: <defaults>
</compile_context>

<pallas_src>
import functools

import jax
import jax.numpy as jnp
from jax import lax
from jax.experimental import pallas as pl
from jax.experimental.pallas import tpu as pltpu
from jax.experimental.pallas import tpu_sc as plsc

N_VOX = 1_000_000
N_ELEM = 100_000
N_ELEM_PAD = 100_096
D = 16
SLAB = 80
SPC = 10
CHUNK = SLAB * SPC
N_CHUNKS = N_VOX // CHUNK
GROUPS = CHUNK // 16
NW = 32


def _body(table, idx3, cent, out, sp_table, idx_v, rows_v, cent_v, out_v, sem):
    sid = lax.axis_index("s")
    wid = sid * 2 + lax.axis_index("c")
    iota = lax.iota(jnp.int32, 16)
    cols = [jnp.full((16,), m, jnp.int32) for m in range(12)]

    rows_per_sub = N_ELEM_PAD // 16
    sbase = pl.multiple_of(sid * rows_per_sub, 8)
    pltpu.sync_copy(table.at[pl.ds(sbase, rows_per_sub)],
                    sp_table.at[pl.ds(sbase, rows_per_sub)])
    plsc.subcore_barrier()

    def chunk_body(i, carry):
        c = wid + i * NW
        vbase = pl.multiple_of(c * CHUNK, 8)
        pltpu.sync_copy(idx3.at[c], idx_v)
        copies = [
            pltpu.async_copy(sp_table.at[idx_v.at[s]],
                             rows_v.at[pl.ds(s * SLAB, SLAB)], sem)
            for s in range(SPC)
        ]
        for j in range(3):
            pltpu.sync_copy(cent.at[pl.ds(j * N_VOX + vbase, CHUNK)],
                            cent_v.at[pl.ds(j * CHUNK, CHUNK)])
        for cp in copies:
            cp.wait()

        def g_body(g, carry2):
            gb = pl.multiple_of(g * 16, 8)
            irow = g * 16 + iota
            cx = cent_v[pl.ds(gb, 16)]
            cy = cent_v[pl.ds(CHUNK + gb, 16)]
            cz = cent_v[pl.ds(2 * CHUNK + gb, 16)]
            for j in range(3):
                a0 = plsc.load_gather(rows_v, [irow, cols[j]])
                a1 = plsc.load_gather(rows_v, [irow, cols[3 + j]])
                a2 = plsc.load_gather(rows_v, [irow, cols[6 + j]])
                a3 = plsc.load_gather(rows_v, [irow, cols[9 + j]])
                out_v[pl.ds(j * CHUNK + gb, 16)] = a0 + cx * a1 + cy * a2 + cz * a3
            return carry2

        lax.fori_loop(0, GROUPS, g_body, 0)
        for j in range(3):
            pltpu.sync_copy(out_v.at[pl.ds(j * CHUNK, CHUNK)],
                            out.at[pl.ds(j * N_VOX + vbase, CHUNK)])
        return carry

    n_my = (N_CHUNKS - wid + NW - 1) // NW
    lax.fori_loop(0, n_my, chunk_body, 0)


@functools.partial(
    pl.kernel,
    out_type=jax.ShapeDtypeStruct((3 * N_VOX,), jnp.float32),
    mesh=plsc.VectorSubcoreMesh(core_axis_name="c", subcore_axis_name="s"),
    compiler_params=pltpu.CompilerParams(needs_layout_passes=False,
                                         use_tc_tiling_on_sc=False),
    scratch_types=[
        pltpu.VMEM_SHARED((N_ELEM_PAD, D), jnp.float32),
        pltpu.VMEM((SPC, SLAB), jnp.int32),
        pltpu.VMEM((CHUNK, D), jnp.float32),
        pltpu.VMEM((3 * CHUNK,), jnp.float32),
        pltpu.VMEM((3 * CHUNK,), jnp.float32),
        pltpu.SemaphoreType.DMA,
    ],
)
def _sc_call(table, idx3, cent, out, sp_table, idx_v, rows_v, cent_v, out_v,
             sem):
    _body(table, idx3, cent, out, sp_table, idx_v, rows_v, cent_v, out_v, sem)


def kernel(all_coeffs, voxels_elements, all_voxels_centroids):
    table = jnp.pad(all_coeffs.reshape(N_ELEM, 12),
                    ((0, N_ELEM_PAD - N_ELEM), (0, D - 12)))
    idx3 = voxels_elements.reshape(N_CHUNKS, SPC, SLAB)
    cent_planes = all_voxels_centroids.T.reshape(-1)
    flat = _sc_call(table, idx3, cent_planes)
    return flat.reshape(3, N_VOX).T

# --- scband reference (transcript-rebuilt; emitter-appended) ---
"""Pipeline reference for scband-compute-all-u-24653112279162 (READ-ONLY COPY).

The authoritative reference and input builder live on the scoring server;
editing this copy changes nothing except your own understanding.
"""

import jax, jax.numpy as jnp
import numpy as np

N_VOXELS = 1000000
N_ELEMENTS = 100000


def setup_inputs(seed: int = 0) -> dict:
    key = jax.random.key(seed)
    k1, k2, k3 = jax.random.split(key, 3)
    all_coeffs = jax.random.normal(k1, (N_ELEMENTS, 4, 3), dtype=jnp.float32)
    voxels_elements = jax.random.randint(k2, (N_VOXELS,), 0, N_ELEMENTS, dtype=jnp.int32)
    all_voxels_centroids = jax.random.uniform(k3, (N_VOXELS, 3), dtype=jnp.float32)
    return {
        "all_coeffs": all_coeffs,
        "voxels_elements": voxels_elements,
        "all_voxels_centroids": all_voxels_centroids,
    }


def reference(all_coeffs, voxels_elements, all_voxels_centroids):
    # Faithful translation of Compute_all_u.__call__: the original scans over
    # voxels, and for each voxel computes dot(concat([1, centroid]), all_coeffs[elem]).
    # vmap expresses the same per-voxel computation (gather of the 4x3 coeff
    # matrix by element id, then a (4,)x(4,3) dot producing (3,)).
    def per_voxel(elem_idx, centroid):
        aug = jnp.concatenate([jnp.ones((1,), dtype=centroid.dtype), centroid])
        return jnp.dot(aug, all_coeffs[elem_idx])

    all_u = jax.vmap(per_voxel)(voxels_elements, all_voxels_centroids)
    return all_u

if __name__ == "__main__":
    import jax
    _d = setup_inputs()
    print(jax.jit(kernel)(*tuple(_d.values())))

</pallas_src>

<mosaic_0001>
#map = affine_map<(d0, d1) -> (0, 0)>
#map1 = affine_map<(d0, d1) -> (0, 0, 0)>
#map2 = affine_map<(d0, d1) -> (0)>
module attributes {stable_mosaic.version = 14 : i64} {
  func.func @_sc_call(%arg0: i32, %arg1: i32, %arg2: memref<100096x16xf32, #tpu.memory_space<hbm>>, %arg3: memref<1250x10x80xi32, #tpu.memory_space<hbm>>, %arg4: memref<3000000xf32, #tpu.memory_space<hbm>>, %arg5: memref<3000000xf32, #tpu.memory_space<hbm>>, %arg6: memref<100096x16xf32, #tpu.memory_space<vmem_shared>>, %arg7: memref<10x80xi32, #tpu.memory_space<vmem>>, %arg8: memref<800x16xf32, #tpu.memory_space<vmem>>, %arg9: memref<2400xf32, #tpu.memory_space<vmem>>, %arg10: memref<2400xf32, #tpu.memory_space<vmem>>, %arg11: memref<!tpu.dma_semaphore, #tpu.memory_space<semaphore_mem>>) attributes {dimension_semantics = [#tpu.dimension_semantics<core_parallel>, #tpu.dimension_semantics<subcore_parallel>], iteration_bounds = array<i64: 2, 16>, scalar_prefetch = 0 : i64, scratch_operands = 6 : i64, tpu.core_type = #tpu.core_type<sc_vector_subcore>, window_params = [{transform_indices = #map}, {transform_indices = #map1}, {transform_indices = #map2}, {transform_indices = #map2}]} {
    %mul3A = arith.constant 2 : i32
    %mul3A_0 = arith.muli %arg1, %mul3A : i32
    %add3A = arith.addi %mul3A_0, %arg0 : i32
    %iota3A = tpu.iota {dimensions = array<i32: 0>} : vector<16xi32>
    %broadcast_in_dim3A = arith.constant 0 : i32
    %broadcast_in_dim3A_1 = vector.broadcast %broadcast_in_dim3A : i32 to vector<16xi32>
    %broadcast_in_dim3A_2 = arith.constant 1 : i32
    %broadcast_in_dim3A_3 = vector.broadcast %broadcast_in_dim3A_2 : i32 to vector<16xi32>
    %broadcast_in_dim3A_4 = arith.constant 2 : i32
    %broadcast_in_dim3A_5 = vector.broadcast %broadcast_in_dim3A_4 : i32 to vector<16xi32>
    %broadcast_in_dim3A_6 = arith.constant 3 : i32
    %broadcast_in_dim3A_7 = vector.broadcast %broadcast_in_dim3A_6 : i32 to vector<16xi32>
    %broadcast_in_dim3A_8 = arith.constant 4 : i32
    %broadcast_in_dim3A_9 = vector.broadcast %broadcast_in_dim3A_8 : i32 to vector<16xi32>
    %broadcast_in_dim3A_10 = arith.constant 5 : i32
    %broadcast_in_dim3A_11 = vector.broadcast %broadcast_in_dim3A_10 : i32 to vector<16xi32>
    %broadcast_in_dim3A_12 = arith.constant 6 : i32
    %broadcast_in_dim3A_13 = vector.broadcast %broadcast_in_dim3A_12 : i32 to vector<16xi32>
    %broadcast_in_dim3A_14 = arith.constant 7 : i32
    %broadcast_in_dim3A_15 = vector.broadcast %broadcast_in_dim3A_14 : i32 to vector<16xi32>
    %broadcast_in_dim3A_16 = arith.constant 8 : i32
    %broadcast_in_dim3A_17 = vector.broadcast %broadcast_in_dim3A_16 : i32 to vector<16xi32>
    %broadcast_in_dim3A_18 = arith.constant 9 : i32
    %broadcast_in_dim3A_19 = vector.broadcast %broadcast_in_dim3A_18 : i32 to vector<16xi32>
    %broadcast_in_dim3A_20 = arith.constant 10 : i32
    %broadcast_in_dim3A_21 = vector.broadcast %broadcast_in_dim3A_20 : i32 to vector<16xi32>
    %broadcast_in_dim3A_22 = arith.constant 11 : i32
    %broadcast_in_dim3A_23 = vector.broadcast %broadcast_in_dim3A_22 : i32 to vector<16xi32>
    %mul3A_24 = arith.constant 6256 : i32
    %mul3A_25 = arith.muli %arg1, %mul3A_24 : i32
    %multiple_of3A = tpu.assume_multiple %mul3A_25, 8 : i32
    "tpu.region"() ({
      %run_scoped3A = tpu.sem_alloc : memref<!tpu.dma_semaphore, #tpu.memory_space<semaphore_mem>>
      %dma_start3A = arith.constant 0 : i32
      %dma_start3A_57 = tpu.memref_slice %arg6[%multiple_of3A, %dma_start3A] : memref<100096x16xf32, #tpu.memory_space<vmem_shared>> -> memref<6256x16xf32, #tpu.memory_space<vmem_shared>>
      %dma_start3A_58 = arith.constant 0 : i32
      %dma_start3A_59 = tpu.memref_slice %arg2[%multiple_of3A, %dma_start3A_58] : memref<100096x16xf32, #tpu.memory_space<hbm>> -> memref<6256x16xf32, #tpu.memory_space<hbm>>
      tpu.enqueue_dma source(%dma_start3A_59 : memref<6256x16xf32, #tpu.memory_space<hbm>>) target(%dma_start3A_57 : memref<6256x16xf32, #tpu.memory_space<vmem_shared>>) target_semaphore(%run_scoped3A : memref<!tpu.dma_semaphore, #tpu.memory_space<semaphore_mem>>)
      %dma_wait3A = arith.constant 0 : i32
      %dma_wait3A_60 = tpu.memref_slice %arg6[%multiple_of3A, %dma_wait3A] : memref<100096x16xf32, #tpu.memory_space<vmem_shared>> -> memref<6256x16xf32, #tpu.memory_space<vmem_shared>>
      %dma_wait3A_61 = arith.constant 0 : i32
      %dma_wait3A_62 = tpu.memref_slice %arg2[%multiple_of3A, %dma_wait3A_61] : memref<100096x16xf32, #tpu.memory_space<hbm>> -> memref<6256x16xf32, #tpu.memory_space<hbm>>
      tpu.wait_dma2 semaphore(%run_scoped3A : memref<!tpu.dma_semaphore, #tpu.memory_space<semaphore_mem>>) src(%dma_wait3A_62 : memref<6256x16xf32, #tpu.memory_space<hbm>>) dst(%dma_wait3A_60 : memref<6256x16xf32, #tpu.memory_space<vmem_shared>>)
      tpu.yield
    }) : () -> ()
    %barrier3A = arith.constant 0 : index
    tpu.barrier barrier_id(%barrier3A)
    %sub3A = arith.constant 1250 : i32
    %sub3A_26 = arith.subi %sub3A, %add3A : i32
    %add3A_27 = arith.constant 32 : i32
    %add3A_28 = arith.addi %sub3A_26, %add3A_27 : i32
    %sub3A_29 = arith.constant 1 : i32
    %sub3A_30 = arith.subi %add3A_28, %sub3A_29 : i32
    %jit3A = arith.constant 32 : i32
    %div3A = arith.divsi %sub3A_30, %jit3A : i32
    %sign3A = arith.constant 0 : i32
    %sign3A_31 = arith.cmpi sgt, %sub3A_30, %sign3A : i32
    %sign3A_32 = arith.extui %sign3A_31 : i1 to i32
    %sign3A_33 = arith.constant 0 : i32
    %sign3A_34 = arith.cmpi slt, %sub3A_30, %sign3A_33 : i32
    %sign3A_35 = arith.extui %sign3A_34 : i1 to i32
    %sign3A_36 = arith.subi %sign3A_32, %sign3A_35 : i32
    %sign3A_37 = arith.constant 0 : i32
    %sign3A_38 = arith.cmpi sgt, %jit3A, %sign3A_37 : i32
    %sign3A_39 = arith.extui %sign3A_38 : i1 to i32
    %sign3A_40 = arith.constant 0 : i32
    %sign3A_41 = arith.cmpi slt, %jit3A, %sign3A_40 : i32
    %sign3A_42 = arith.extui %sign3A_41 : i1 to i32
    %sign3A_43 = arith.subi %sign3A_39, %sign3A_42 : i32
    %ne3A = arith.cmpi ne, %sign3A_36, %sign3A_43 : i32
    %rem3A = arith.remsi %sub3A_30, %jit3A : i32
    %ne3A_44 = arith.constant 0 : i32
    %ne3A_45 = arith.cmpi ne, %rem3A, %ne3A_44 : i32
    %and3A = arith.andi %ne3A, %ne3A_45 : i1
    %sub3A_46 = arith.constant 1 : i32
    %sub3A_47 = arith.subi %div3A, %sub3A_46 : i32
    %select_n3A = arith.select %and3A, %sub3A_47, %div3A : i32
    %while3A = arith.constant 0 : i32
    %while3A_48 = arith.constant 0 : i32
    %while3A_49 = arith.subi %select_n3A, %while3A_48 : i32
    %while3A_50 = arith.addi %while3A_48, %while3A_49 : i32
    %while3A_51 = arith.constant 1 : i32
    %while3A_52 = arith.divsi %while3A_49, %while3A_51 : i32
    %while3A_53 = arith.muli %while3A_52, %while3A_51 : i32
    %while3A_54 = arith.addi %while3A_48, %while3A_53 : i32
    %while3A_55 = arith.constant 1 : i32
    scf.for %while3A_57 = %while3A_48 to %while3A_54 step %while3A_55  : i32 {
      %mul3A_58 = arith.constant 32 : i32
      %mul3A_59 = arith.muli %while3A_57, %mul3A_58 : i32
      %add3A_60 = arith.addi %add3A, %mul3A_59 : i32
      %mul3A_61 = arith.constant 800 : i32
      %mul3A_62 = arith.muli %add3A_60, %mul3A_61 : i32
      %multiple_of3A_63 = tpu.assume_multiple %mul3A_62, 8 : i32
      "tpu.region"() ({
        %run_scoped3A = tpu.sem_alloc : memref<!tpu.dma_semaphore, #tpu.memory_space<semaphore_mem>>
        %dma_start3A_279 = arith.constant 0 : i32
        %dma_start3A_280 = arith.constant 0 : i32
        %dma_start3A_281 = tpu.memref_slice %arg3[%add3A_60, %dma_start3A_279, %dma_start3A_280] : memref<1250x10x80xi32, #tpu.memory_space<hbm>> -> memref<1x10x80xi32, #tpu.memory_space<hbm>>
        %dma_start3A_282 = tpu.memref_squeeze %dma_start3A_281 : memref<1x10x80xi32, #tpu.memory_space<hbm>> -> memref<10x80xi32, #tpu.memory_space<hbm>>
        %dma_start3A_283 = arith.constant 0 : i32
        %dma_start3A_284 = arith.constant 0 : i32
        %dma_start3A_285 = tpu.memref_slice %arg3[%add3A_60, %dma_start3A_283, %dma_start3A_284] : memref<1250x10x80xi32, #tpu.memory_space<hbm>> -> memref<1x10x80xi32, #tpu.memory_space<hbm>>
        %dma_start3A_286 = tpu.memref_squeeze %dma_start3A_285 : memref<1x10x80xi32, #tpu.memory_space<hbm>> -> memref<10x80xi32, #tpu.memory_space<hbm>>
        tpu.enqueue_dma source(%dma_start3A_286 : memref<10x80xi32, #tpu.memory_space<hbm>>) target(%arg7 : memref<10x80xi32, #tpu.memory_space<vmem>>) target_semaphore(%run_scoped3A : memref<!tpu.dma_semaphore, #tpu.memory_space<semaphore_mem>>)
        %dma_wait3A_287 = arith.constant 0 : i32
        %dma_wait3A_288 = arith.constant 0 : i32
        %dma_wait3A_289 = tpu.memref_slice %arg3[%add3A_60, %dma_wait3A_287, %dma_wait3A_288] : memref<1250x10x80xi32, #tpu.memory_space<hbm>> -> memref<1x10x80xi32, #tpu.memory_space<hbm>>
        %dma_wait3A_290 = tpu.memref_squeeze %dma_wait3A_289 : memref<1x10x80xi32, #tpu.memory_space<hbm>> -> memref<10x80xi32, #tpu.memory_space<hbm>>
        %dma_wait3A_291 = arith.constant 0 : i32
        %dma_wait3A_292 = arith.constant 0 : i32
        %dma_wait3A_293 = tpu.memref_slice %arg3[%add3A_60, %dma_wait3A_291, %dma_wait3A_292] : memref<1250x10x80xi32, #tpu.memory_space<hbm>> -> memref<1x10x80xi32, #tpu.memory_space<hbm>>
        %dma_wait3A_294 = tpu.memref_squeeze %dma_wait3A_293 : memref<1x10x80xi32, #tpu.memory_space<hbm>> -> memref<10x80xi32, #tpu.memory_space<hbm>>
        tpu.wait_dma2 semaphore(%run_scoped3A : memref<!tpu.dma_semaphore, #tpu.memory_space<semaphore_mem>>) src(%dma_wait3A_294 : memref<10x80xi32, #tpu.memory_space<hbm>>) dst(%arg7 : memref<10x80xi32, #tpu.memory_space<vmem>>)
        tpu.yield
      }) : () -> ()
      %dma_start3A = arith.constant 0 : i32
      %dma_start3A_64 = arith.constant 0 : i32
      %dma_start3A_65 = arith.constant 0 : i32
      %dma_start3A_66 = tpu.memref_slice %arg8[%dma_start3A_64, %dma_start3A_65] : memref<800x16xf32, #tpu.memory_space<vmem>> -> memref<80x16xf32, #tpu.memory_space<vmem>>
      %dma_start3A_67 = arith.constant 0 : i32
      %dma_start3A_68 = tpu.memref_slice %arg7[%dma_start3A, %dma_start3A_67] : memref<10x80xi32, #tpu.memory_space<vmem>> -> memref<1x80xi32, #tpu.memory_space<vmem>>
      %dma_start3A_69 = tpu.memref_squeeze %dma_start3A_68 : memref<1x80xi32, #tpu.memory_space<vmem>> -> memref<80xi32, #tpu.memory_space<vmem>>
      %dma_start3A_70 = arith.constant 0 : i32
      %dma_start3A_71 = arith.constant 0 : i32
      %dma_start3A_72 = tpu.memref_slice %arg6[%dma_start3A_70, %dma_start3A_71] : memref<100096x16xf32, #tpu.memory_space<vmem_shared>> -> memref<100096x16xf32, #tpu.memory_space<vmem_shared>>
      tpu.enqueue_indirect_dma source(%dma_start3A_72 : memref<100096x16xf32, #tpu.memory_space<vmem_shared>>) target(%dma_start3A_66 : memref<80x16xf32, #tpu.memory_space<vmem>>) offsets(%dma_start3A_69 : memref<80xi32, #tpu.memory_space<vmem>>) semaphore(%arg11 : memref<!tpu.dma_semaphore, #tpu.memory_space<semaphore_mem>>)
      %dma_start3A_73 = arith.constant 1 : i32
      %dma_start3A_74 = arith.constant 80 : i32
      %dma_start3A_75 = arith.constant 0 : i32
      %dma_start3A_76 = tpu.memref_slice %arg8[%dma_start3A_74, %dma_start3A_75] : memref<800x16xf32, #tpu.memory_space<vmem>> -> memref<80x16xf32, #tpu.memory_space<vmem>>
      %dma_start3A_77 = arith.constant 0 : i32
      %dma_start3A_78 = tpu.memref_slice %arg7[%dma_start3A_73, %dma_start3A_77] : memref<10x80xi32, #tpu.memory_space<vmem>> -> memref<1x80xi32, #tpu.memory_space<vmem>>
      %dma_start3A_79 = tpu.memref_squeeze %dma_start3A_78 : memref<1x80xi32, #tpu.memory_space<vmem>> -> memref<80xi32, #tpu.memory_space<vmem>>
      %dma_start3A_80 = arith.constant 0 : i32
      %dma_start3A_81 = arith.constant 0 : i32
      %dma_start3A_82 = tpu.memref_slice %arg6[%dma_start3A_80, %dma_start3A_81] : memref<100096x16xf32, #tpu.memory_space<vmem_shared>> -> memref<100096x16xf32, #tpu.memory_space<vmem_shared>>
      tpu.enqueue_indirect_dma source(%dma_start3A_82 : memref<100096x16xf32, #tpu.memory_space<vmem_shared>>) target(%dma_start3A_76 : memref<80x16xf32, #tpu.memory_space<vmem>>) offsets(%dma_start3A_79 : memref<80xi32, #tpu.memory_space<vmem>>) semaphore(%arg11 : memref<!tpu.dma_semaphore, #tpu.memory_space<semaphore_mem>>)
      %dma_start3A_83 = arith.constant 2 : i32
      %dma_start3A_84 = arith.constant 160 : i32
      %dma_start3A_85 = arith.constant 0 : i32
      %dma_start3A_86 = tpu.memref_slice %arg8[%dma_start3A_84, %dma_start3A_85] : memref<800x16xf32, #tpu.memory_space<vmem>> -> memref<80x16xf32, #tpu.memory_space<vmem>>
      %dma_start3A_87 = arith.constant 0 : i32
      %dma_start3A_88 = tpu.memref_slice %arg7[%dma_start3A_83, %dma_start3A_87] : memref<10x80xi32, #tpu.memory_space<vmem>> -> memref<1x80xi32, #tpu.memory_space<vmem>>
      %dma_start3A_89 = tpu.memref_squeeze %dma_start3A_88 : memref<1x80xi32, #tpu.memory_space<vmem>> -> memref<80xi32, #tpu.memory_space<vmem>>
      %dma_start3A_90 = arith.constant 0 : i32
      %dma_start3A_91 = arith.constant 0 : i32
      %dma_start3A_92 = tpu.memref_slice %arg6[%dma_start3A_90, %dma_start3A_91] : memref<100096x16xf32, #tpu.memory_space<vmem_shared>> -> memref<100096x16xf32, #tpu.memory_space<vmem_shared>>
      tpu.enqueue_indirect_dma source(%dma_start3A_92 : memref<100096x16xf32, #tpu.memory_space<vmem_shared>>) target(%dma_start3A_86 : memref<80x16xf32, #tpu.memory_space<vmem>>) offsets(%dma_start3A_89 : memref<80xi32, #tpu.memory_space<vmem>>) semaphore(%arg11 : memref<!tpu.dma_semaphore, #tpu.memory_space<semaphore_mem>>)
      %dma_start3A_93 = arith.constant 3 : i32
      %dma_start3A_94 = arith.constant 240 : i32
      %dma_start3A_95 = arith.constant 0 : i32
      %dma_start3A_96 = tpu.memref_slice %arg8[%dma_start3A_94, %dma_start3A_95] : memref<800x16xf32, #tpu.memory_space<vmem>> -> memref<80x16xf32, #tpu.memory_space<vmem>>
      %dma_start3A_97 = arith.constant 0 : i32
      %dma_start3A_98 = tpu.memref_slice %arg7[%dma_start3A_93, %dma_start3A_97] : memref<10x80xi32, #tpu.memory_space<vmem>> -> memref<1x80xi32, #tpu.memory_space<vmem>>
      %dma_start3A_99 = tpu.memref_squeeze %dma_start3A_98 : memref<1x80xi32, #tpu.memory_space<vmem>> -> memref<80xi32, #tpu.memory_space<vmem>>
      %dma_start3A_100 = arith.constant 0 : i32
      %dma_start3A_101 = arith.constant 0 : i32
      %dma_start3A_102 = tpu.memref_slice %arg6[%dma_start3A_100, %dma_start3A_101] : memref<100096x16xf32, #tpu.memory_space<vmem_shared>> -> memref<100096x16xf32, #tpu.memory_space<vmem_shared>>
      tpu.enqueue_indirect_dma source(%dma_start3A_102 : memref<100096x16xf32, #tpu.memory_space<vmem_shared>>) target(%dma_start3A_96 : memref<80x16xf32, #tpu.memory_space<vmem>>) offsets(%dma_start3A_99 : memref<80xi32, #tpu.memory_space<vmem>>) semaphore(%arg11 : memref<!tpu.dma_semaphore, #tpu.memory_space<semaphore_mem>>)
      %dma_start3A_103 = arith.constant 4 : i32
      %dma_start3A_104 = arith.constant 320 : i32
      %dma_start3A_105 = arith.constant 0 : i32
      %dma_start3A_106 = tpu.memref_slice %arg8[%dma_start3A_104, %dma_start3A_105] : memref<800x16xf32, #tpu.memory_space<vmem>> -> memref<80x16xf32, #tpu.memory_space<vmem>>
      %dma_start3A_107 = arith.constant 0 : i32
      %dma_start3A_108 = tpu.memref_slice %arg7[%dma_start3A_103, %dma_start3A_107] : memref<10x80xi32, #tpu.memory_space<vmem>> -> memref<1x80xi32, #tpu.memory_space<vmem>>
      %dma_start3A_109 = tpu.memref_squeeze %dma_start3A_108 : memref<1x80xi32, #tpu.memory_space<vmem>> -> memref<80xi32, #tpu.memory_space<vmem>>
      %dma_start3A_110 = arith.constant 0 : i32
      %dma_start3A_111 = arith.constant 0 : i32
      %dma_start3A_112 = tpu.memref_slice %arg6[%dma_start3A_110, %dma_start3A_111] : memref<100096x16xf32, #tpu.memory_space<vmem_shared>> -> memref<100096x16xf32, #tpu.memory_space<vmem_shared>>
      tpu.enqueue_indirect_dma source(%dma_start3A_112 : memref<100096x16xf32, #tpu.memory_space<vmem_shared>>) target(%dma_start3A_106 : memref<80x16xf32, #tpu.memory_space<vmem>>) offsets(%dma_start3A_109 : memref<80xi32, #tpu.memory_space<vmem>>) semaphore(%arg11 : memref<!tpu.dma_semaphore, #tpu.memory_space<semaphore_mem>>)
      %dma_start3A_113 = arith.constant 5 : i32
      %dma_start3A_114 = arith.constant 400 : i32
      %dma_start3A_115 = arith.constant 0 : i32
      %dma_start3A_116 = tpu.memref_slice %arg8[%dma_start3A_114, %dma_start3A_115] : memref<800x16xf32, #tpu.memory_space<vmem>> -> memref<80x16xf32, #tpu.memory_space<vmem>>
      %dma_start3A_117 = arith.constant 0 : i32
      %dma_start3A_118 = tpu.memref_slice %arg7[%dma_start3A_113, %dma_start3A_117] : memref<10x80xi32, #tpu.memory_space<vmem>> -> memref<1x80xi32, #tpu.memory_space<vmem>>
      %dma_start3A_119 = tpu.memref_squeeze %dma_start3A_118 : memref<1x80xi32, #tpu.memory_space<vmem>> -> memref<80xi32, #tpu.memory_space<vmem>>
      %dma_start3A_120 = arith.constant 0 : i32
      %dma_start3A_121 = arith.constant 0 : i32
      %dma_start3A_122 = tpu.memref_slice %arg6[%dma_start3A_120, %dma_start3A_121] : memref<100096x16xf32, #tpu.memory_space<vmem_shared>> -> memref<100096x16xf32, #tpu.memory_space<vmem_shared>>
      tpu.enqueue_indirect_dma source(%dma_start3A_122 : memref<100096x16xf32, #tpu.memory_space<vmem_shared>>) target(%dma_start3A_116 : memref<80x16xf32, #tpu.memory_space<vmem>>) offsets(%dma_start3A_119 : memref<80xi32, #tpu.memory_space<vmem>>) semaphore(%arg11 : memref<!tpu.dma_semaphore, #tpu.memory_space<semaphore_mem>>)
      %dma_start3A_123 = arith.constant 6 : i32
      %dma_start3A_124 = arith.constant 480 : i32
      %dma_start3A_125 = arith.constant 0 : i32
      %dma_start3A_126 = tpu.memref_slice %arg8[%dma_start3A_124, %dma_start3A_125] : memref<800x16xf32, #tpu.memory_space<vmem>> -> memref<80x16xf32, #tpu.memory_space<vmem>>
      %dma_start3A_127 = arith.constant 0 : i32
      %dma_start3A_128 = tpu.memref_slice %arg7[%dma_start3A_123, %dma_start3A_127] : memref<10x80xi32, #tpu.memory_space<vmem>> -> memref<1x80xi32, #tpu.memory_space<vmem>>
      %dma_start3A_129 = tpu.memref_squeeze %dma_start3A_128 : memref<1x80xi32, #tpu.memory_space<vmem>> -> memref<80xi32, #tpu.memory_space<vmem>>
      %dma_start3A_130 = arith.constant 0 : i32
      %dma_start3A_131 = arith.constant 0 : i32
      %dma_start3A_132 = tpu.memref_slice %arg6[%dma_start3A_130, %dma_start3A_131] : memref<100096x16xf32, #tpu.memory_space<vmem_shared>> -> memref<100096x16xf32, #tpu.memory_space<vmem_shared>>
      tpu.enqueue_indirect_dma source(%dma_start3A_132 : memref<100096x16xf32, #tpu.memory_space<vmem_shared>>) target(%dma_start3A_126 : memref<80x16xf32, #tpu.memory_space<vmem>>) offsets(%dma_start3A_129 : memref<80xi32, #tpu.memory_space<vmem>>) semaphore(%arg11 : memref<!tpu.dma_semaphore, #tpu.memory_space<semaphore_mem>>)
      %dma_start3A_133 = arith.constant 7 : i32
      %dma_start3A_134 = arith.constant 560 : i32
      %dma_start3A_135 = arith.constant 0 : i32
      %dma_start3A_136 = tpu.memref_slice %arg8[%dma_start3A_134, %dma_start3A_135] : memref<800x16xf32, #tpu.memory_space<vmem>> -> memref<80x16xf32, #tpu.memory_space<vmem>>
      %dma_start3A_137 = arith.constant 0 : i32
      %dma_start3A_138 = tpu.memref_slice %arg7[%dma_start3A_133, %dma_start3A_137] : memref<10x80xi32, #tpu.memory_space<vmem>> -> memref<1x80xi32, #tpu.memory_space<vmem>>
      %dma_start3A_139 = tpu.memref_squeeze %dma_start3A_138 : memref<1x80xi32, #tpu.memory_space<vmem>> -> memref<80xi32, #tpu.memory_space<vmem>>
      %dma_start3A_140 = arith.constant 0 : i32
      %dma_start3A_141 = arith.constant 0 : i32
      %dma_start3A_142 = tpu.memref_slice %arg6[%dma_start3A_140, %dma_start3A_141] : memref<100096x16xf32, #tpu.memory_space<vmem_shared>> -> memref<100096x16xf32, #tpu.memory_space<vmem_shared>>
      tpu.enqueue_indirect_dma source(%dma_start3A_142 : memref<100096x16xf32, #tpu.memory_space<vmem_shared>>) target(%dma_start3A_136 : memref<80x16xf32, #tpu.memory_space<vmem>>) offsets(%dma_start3A_139 : memref<80xi32, #tpu.memory_space<vmem>>) semaphore(%arg11 : memref<!tpu.dma_semaphore, #tpu.memory_space<semaphore_mem>>)
      %dma_start3A_143 = arith.constant 8 : i32
      %dma_start3A_144 = arith.constant 640 : i32
      %dma_start3A_145 = arith.constant 0 : i32
      %dma_start3A_146 = tpu.memref_slice %arg8[%dma_start3A_144, %dma_start3A_145] : memref<800x16xf32, #tpu.memory_space<vmem>> -> memref<80x16xf32, #tpu.memory_space<vmem>>
      %dma_start3A_147 = arith.constant 0 : i32
      %dma_start3A_148 = tpu.memref_slice %arg7[%dma_start3A_143, %dma_start3A_147] : memref<10x80xi32, #tpu.memory_space<vmem>> -> memref<1x80xi32, #tpu.memory_space<vmem>>
      %dma_start3A_149 = tpu.memref_squeeze %dma_start3A_148 : memref<1x80xi32, #tpu.memory_space<vmem>> -> memref<80xi32, #tpu.memory_space<vmem>>
      %dma_start3A_150 = arith.constant 0 : i32
      %dma_start3A_151 = arith.constant 0 : i32
      %dma_start3A_152 = tpu.memref_slice %arg6[%dma_start3A_150, %dma_start3A_151] : memref<100096x16xf32, #tpu.memory_space<vmem_shared>> -> memref<100096x16xf32, #tpu.memory_space<vmem_shared>>
      tpu.enqueue_indirect_dma source(%dma_start3A_152 : memref<100096x16xf32, #tpu.memory_space<vmem_shared>>) target(%dma_start3A_146 : memref<80x16xf32, #tpu.memory_space<vmem>>) offsets(%dma_start3A_149 : memref<80xi32, #tpu.memory_space<vmem>>) semaphore(%arg11 : memref<!tpu.dma_semaphore, #tpu.memory_space<semaphore_mem>>)
      %dma_start3A_153 = arith.constant 9 : i32
      %dma_start3A_154 = arith.constant 720 : i32
      %dma_start3A_155 = arith.constant 0 : i32
      %dma_start3A_156 = tpu.memref_slice %arg8[%dma_start3A_154, %dma_start3A_155] : memref<800x16xf32, #tpu.memory_space<vmem>> -> memref<80x16xf32, #tpu.memory_space<vmem>>
      %dma_start3A_157 = arith.constant 0 : i32
      %dma_start3A_158 = tpu.memref_slice %arg7[%dma_start3A_153, %dma_start3A_157] : memref<10x80xi32, #tpu.memory_space<vmem>> -> memref<1x80xi32, #tpu.memory_space<vmem>>
      %dma_start3A_159 = tpu.memref_squeeze %dma_start3A_158 : memref<1x80xi32, #tpu.memory_space<vmem>> -> memref<80xi32, #tpu.memory_space<vmem>>
      %dma_start3A_160 = arith.constant 0 : i32
      %dma_start3A_161 = arith.constant 0 : i32
      %dma_start3A_162 = tpu.memref_slice %arg6[%dma_start3A_160, %dma_start3A_161] : memref<100096x16xf32, #tpu.memory_space<vmem_shared>> -> memref<100096x16xf32, #tpu.memory_space<vmem_shared>>
      tpu.enqueue_indirect_dma source(%dma_start3A_162 : memref<100096x16xf32, #tpu.memory_space<vmem_shared>>) target(%dma_start3A_156 : memref<80x16xf32, #tpu.memory_space<vmem>>) offsets(%dma_start3A_159 : memref<80xi32, #tpu.memory_space<vmem>>) semaphore(%arg11 : memref<!tpu.dma_semaphore, #tpu.memory_space<semaphore_mem>>)
      %add3A_163 = arith.constant 0 : i32
      %add3A_164 = arith.addi %add3A_163, %multiple_of3A_63 : i32
      "tpu.region"() ({
        %run_scoped3A = tpu.sem_alloc : memref<!tpu.dma_semaphore, #tpu.memory_space<semaphore_mem>>
        %dma_start3A_279 = arith.constant 0 : i32
        %dma_start3A_280 = tpu.memref_slice %arg9[%dma_start3A_279] : memref<2400xf32, #tpu.memory_space<vmem>> -> memref<800xf32, #tpu.memory_space<vmem>>
        %dma_start3A_281 = tpu.memref_slice %arg4[%add3A_164] : memref<3000000xf32, #tpu.memory_space<hbm>> -> memref<800xf32, #tpu.memory_space<hbm>>
        %dma_start3A_282 = arith.constant 0 : i32
        %dma_start3A_283 = tpu.memref_slice %arg9[%dma_start3A_282] : memref<2400xf32, #tpu.memory_space<vmem>> -> memref<800xf32, #tpu.memory_space<vmem>>
        %dma_start3A_284 = tpu.memref_slice %arg4[%add3A_164] : memref<3000000xf32, #tpu.memory_space<hbm>> -> memref<800xf32, #tpu.memory_space<hbm>>
        tpu.enqueue_dma source(%dma_start3A_284 : memref<800xf32, #tpu.memory_space<hbm>>) target(%dma_start3A_283 : memref<800xf32, #tpu.memory_space<vmem>>) target_semaphore(%run_scoped3A : memref<!tpu.dma_semaphore, #tpu.memory_space<semaphore_mem>>)
        %dma_wait3A_285 = arith.constant 0 : i32
        %dma_wait3A_286 = tpu.memref_slice %arg9[%dma_wait3A_285] : memref<2400xf32, #tpu.memory_space<vmem>> -> memref<800xf32, #tpu.memory_space<vmem>>
        %dma_wait3A_287 = tpu.memref_slice %arg4[%add3A_164] : memref<3000000xf32, #tpu.memory_space<hbm>> -> memref<800xf32, #tpu.memory_space<hbm>>
        %dma_wait3A_288 = arith.constant 0 : i32
        %dma_wait3A_289 = tpu.memref_slice %arg9[%dma_wait3A_288] : memref<2400xf32, #tpu.memory_space<vmem>> -> memref<800xf32, #tpu.memory_space<vmem>>
        %dma_wait3A_290 = tpu.memref_slice %arg4[%add3A_164] : memref<3000000xf32, #tpu.memory_space<hbm>> -> memref<800xf32, #tpu.memory_space<hbm>>
        tpu.wait_dma2 semaphore(%run_scoped3A : memref<!tpu.dma_semaphore, #tpu.memory_space<semaphore_mem>>) src(%dma_wait3A_290 : memref<800xf32, #tpu.memory_space<hbm>>) dst(%dma_wait3A_289 : memref<800xf32, #tpu.memory_space<vmem>>)
        tpu.yield
      }) : () -> ()
      %add3A_165 = arith.constant 1000000 : i32
      %add3A_166 = arith.addi %add3A_165, %multiple_of3A_63 : i32
      "tpu.region"() ({
        %run_scoped3A = tpu.sem_alloc : memref<!tpu.dma_semaphore, #tpu.memory_space<semaphore_mem>>
        %dma_start3A_279 = arith.constant 800 : i32
        %dma_start3A_280 = tpu.memref_slice %arg9[%dma_start3A_279] : memref<2400xf32, #tpu.memory_space<vmem>> -> memref<800xf32, #tpu.memory_space<vmem>>
        %dma_start3A_281 = tpu.memref_slice %arg4[%add3A_166] : memref<3000000xf32, #tpu.memory_space<hbm>> -> memref<800xf32, #tpu.memory_space<hbm>>
        %dma_start3A_282 = arith.constant 800 : i32
        %dma_start3A_283 = tpu.memref_slice %arg9[%dma_start3A_282] : memref<2400xf32, #tpu.memory_space<vmem>> -> memref<800xf32, #tpu.memory_space<vmem>>
        %dma_start3A_284 = tpu.memref_slice %arg4[%add3A_166] : memref<3000000xf32, #tpu.memory_space<hbm>> -> memref<800xf32, #tpu.memory_space<hbm>>
        tpu.enqueue_dma source(%dma_start3A_284 : memref<800xf32, #tpu.memory_space<hbm>>) target(%dma_start3A_283 : memref<800xf32, #tpu.memory_space<vmem>>) target_semaphore(%run_scoped3A : memref<!tpu.dma_semaphore, #tpu.memory_space<semaphore_mem>>)
        %dma_wait3A_285 = arith.constant 800 : i32
        %dma_wait3A_286 = tpu.memref_slice %arg9[%dma_wait3A_285] : memref<2400xf32, #tpu.memory_space<vmem>> -> memref<800xf32, #tpu.memory_space<vmem>>
        %dma_wait3A_287 = tpu.memref_slice %arg4[%add3A_166] : memref<3000000xf32, #tpu.memory_space<hbm>> -> memref<800xf32, #tpu.memory_space<hbm>>
        %dma_wait3A_288 = arith.constant 800 : i32
        %dma_wait3A_289 = tpu.memref_slice %arg9[%dma_wait3A_288] : memref<2400xf32, #tpu.memory_space<vmem>> -> memref<800xf32, #tpu.memory_space<vmem>>
        %dma_wait3A_290 = tpu.memref_slice %arg4[%add3A_166] : memref<3000000xf32, #tpu.memory_space<hbm>> -> memref<800xf32, #tpu.memory_space<hbm>>
        tpu.wait_dma2 semaphore(%run_scoped3A : memref<!tpu.dma_semaphore, #tpu.memory_space<semaphore_mem>>) src(%dma_wait3A_290 : memref<800xf32, #tpu.memory_space<hbm>>) dst(%dma_wait3A_289 : memref<800xf32, #tpu.memory_space<vmem>>)
        tpu.yield
      }) : () -> ()
      %add3A_167 = arith.constant 2000000 : i32
      %add3A_168 = arith.addi %add3A_167, %multiple_of3A_63 : i32
      "tpu.region"() ({
        %run_scoped3A = tpu.sem_alloc : memref<!tpu.dma_semaphore, #tpu.memory_space<semaphore_mem>>
        %dma_start3A_279 = arith.constant 1600 : i32
        %dma_start3A_280 = tpu.memref_slice %arg9[%dma_start3A_279] : memref<2400xf32, #tpu.memory_space<vmem>> -> memref<800xf32, #tpu.memory_space<vmem>>
        %dma_start3A_281 = tpu.memref_slice %arg4[%add3A_168] : memref<3000000xf32, #tpu.memory_space<hbm>> -> memref<800xf32, #tpu.memory_space<hbm>>
        %dma_start3A_282 = arith.constant 1600 : i32
        %dma_start3A_283 = tpu.memref_slice %arg9[%dma_start3A_282] : memref<2400xf32, #tpu.memory_space<vmem>> -> memref<800xf32, #tpu.memory_space<vmem>>
        %dma_start3A_284 = tpu.memref_slice %arg4[%add3A_168] : memref<3000000xf32, #tpu.memory_space<hbm>> -> memref<800xf32, #tpu.memory_space<hbm>>
        tpu.enqueue_dma source(%dma_start3A_284 : memref<800xf32, #tpu.memory_space<hbm>>) target(%dma_start3A_283 : memref<800xf32, #tpu.memory_space<vmem>>) target_semaphore(%run_scoped3A : memref<!tpu.dma_semaphore, #tpu.memory_space<semaphore_mem>>)
        %dma_wait3A_285 = arith.constant 1600 : i32
        %dma_wait3A_286 = tpu.memref_slice %arg9[%dma_wait3A_285] : memref<2400xf32, #tpu.memory_space<vmem>> -> memref<800xf32, #tpu.memory_space<vmem>>
        %dma_wait3A_287 = tpu.memref_slice %arg4[%add3A_168] : memref<3000000xf32, #tpu.memory_space<hbm>> -> memref<800xf32, #tpu.memory_space<hbm>>
        %dma_wait3A_288 = arith.constant 1600 : i32
        %dma_wait3A_289 = tpu.memref_slice %arg9[%dma_wait3A_288] : memref<2400xf32, #tpu.memory_space<vmem>> -> memref<800xf32, #tpu.memory_space<vmem>>
        %dma_wait3A_290 = tpu.memref_slice %arg4[%add3A_168] : memref<3000000xf32, #tpu.memory_space<hbm>> -> memref<800xf32, #tpu.memory_space<hbm>>
        tpu.wait_dma2 semaphore(%run_scoped3A : memref<!tpu.dma_semaphore, #tpu.memory_space<semaphore_mem>>) src(%dma_wait3A_290 : memref<800xf32, #tpu.memory_space<hbm>>) dst(%dma_wait3A_289 : memref<800xf32, #tpu.memory_space<vmem>>)
        tpu.yield
      }) : () -> ()
      %dma_wait3A = arith.constant 0 : i32
      %dma_wait3A_169 = arith.constant 0 : i32
      %dma_wait3A_170 = arith.constant 0 : i32
      %dma_wait3A_171 = tpu.memref_slice %arg8[%dma_wait3A_169, %dma_wait3A_170] : memref<800x16xf32, #tpu.memory_space<vmem>> -> memref<80x16xf32, #tpu.memory_space<vmem>>
      %dma_wait3A_172 = arith.constant 0 : i32
      %dma_wait3A_173 = tpu.memref_slice %arg7[%dma_wait3A, %dma_wait3A_172] : memref<10x80xi32, #tpu.memory_space<vmem>> -> memref<1x80xi32, #tpu.memory_space<vmem>>
      %dma_wait3A_174 = tpu.memref_squeeze %dma_wait3A_173 : memref<1x80xi32, #tpu.memory_space<vmem>> -> memref<80xi32, #tpu.memory_space<vmem>>
      %dma_wait3A_175 = arith.constant 0 : i32
      %dma_wait3A_176 = arith.constant 0 : i32
      %dma_wait3A_177 = tpu.memref_slice %arg6[%dma_wait3A_175, %dma_wait3A_176] : memref<100096x16xf32, #tpu.memory_space<vmem_shared>> -> memref<100096x16xf32, #tpu.memory_space<vmem_shared>>
      tpu.wait_indirect_dma semaphore(%arg11 : memref<!tpu.dma_semaphore, #tpu.memory_space<semaphore_mem>>) src(%dma_wait3A_177 : memref<100096x16xf32, #tpu.memory_space<vmem_shared>>) dst(%dma_wait3A_171 : memref<80x16xf32, #tpu.memory_space<vmem>>)
      %dma_wait3A_178 = arith.constant 1 : i32
      %dma_wait3A_179 = arith.constant 80 : i32
      %dma_wait3A_180 = arith.constant 0 : i32
      %dma_wait3A_181 = tpu.memref_slice %arg8[%dma_wait3A_179, %dma_wait3A_180] : memref<800x16xf32, #tpu.memory_space<vmem>> -> memref<80x16xf32, #tpu.memory_space<vmem>>
      %dma_wait3A_182 = arith.constant 0 : i32
      %dma_wait3A_183 = tpu.memref_slice %arg7[%dma_wait3A_178, %dma_wait3A_182] : memref<10x80xi32, #tpu.memory_space<vmem>> -> memref<1x80xi32, #tpu.memory_space<vmem>>
      %dma_wait3A_184 = tpu.memref_squeeze %dma_wait3A_183 : memref<1x80xi32, #tpu.memory_space<vmem>> -> memref<80xi32, #tpu.memory_space<vmem>>
      %dma_wait3A_185 = arith.constant 0 : i32
      %dma_wait3A_186 = arith.constant 0 : i32
      %dma_wait3A_187 = tpu.memref_slice %arg6[%dma_wait3A_185, %dma_wait3A_186] : memref<100096x16xf32, #tpu.memory_space<vmem_shared>> -> memref<100096x16xf32, #tpu.memory_space<vmem_shared>>
      tpu.wait_indirect_dma semaphore(%arg11 : memref<!tpu.dma_semaphore, #tpu.memory_space<semaphore_mem>>) src(%dma_wait3A_187 : memref<100096x16xf32, #tpu.memory_space<vmem_shared>>) dst(%dma_wait3A_181 : memref<80x16xf32, #tpu.memory_space<vmem>>)
      %dma_wait3A_188 = arith.constant 2 : i32
      %dma_wait3A_189 = arith.constant 160 : i32
      %dma_wait3A_190 = arith.constant 0 : i32
      %dma_wait3A_191 = tpu.memref_slice %arg8[%dma_wait3A_189, %dma_wait3A_190] : memref<800x16xf32, #tpu.memory_space<vmem>> -> memref<80x16xf32, #tpu.memory_space<vmem>>
      %dma_wait3A_192 = arith.constant 0 : i32
      %dma_wait3A_193 = tpu.memref_slice %arg7[%dma_wait3A_188, %dma_wait3A_192] : memref<10x80xi32, #tpu.memory_space<vmem>> -> memref<1x80xi32, #tpu.memory_space<vmem>>
      %dma_wait3A_194 = tpu.memref_squeeze %dma_wait3A_193 : memref<1x80xi32, #tpu.memory_space<vmem>> -> memref<80xi32, #tpu.memory_space<vmem>>
      %dma_wait3A_195 = arith.constant 0 : i32
      %dma_wait3A_196 = arith.constant 0 : i32
      %dma_wait3A_197 = tpu.memref_slice %arg6[%dma_wait3A_195, %dma_wait3A_196] : memref<100096x16xf32, #tpu.memory_space<vmem_shared>> -> memref<100096x16xf32, #tpu.memory_space<vmem_shared>>
      tpu.wait_indirect_dma semaphore(%arg11 : memref<!tpu.dma_semaphore, #tpu.memory_space<semaphore_mem>>) src(%dma_wait3A_197 : memref<100096x16xf32, #tpu.memory_space<vmem_shared>>) dst(%dma_wait3A_191 : memref<80x16xf32, #tpu.memory_space<vmem>>)
      %dma_wait3A_198 = arith.constant 3 : i32
      %dma_wait3A_199 = arith.constant 240 : i32
      %dma_wait3A_200 = arith.constant 0 : i32
      %dma_wait3A_201 = tpu.memref_slice %arg8[%dma_wait3A_199, %dma_wait3A_200] : memref<800x16xf32, #tpu.memory_space<vmem>> -> memref<80x16xf32, #tpu.memory_space<vmem>>
      %dma_wait3A_202 = arith.constant 0 : i32
      %dma_wait3A_203 = tpu.memref_slice %arg7[%dma_wait3A_198, %dma_wait3A_202] : memref<10x80xi32, #tpu.memory_space<vmem>> -> memref<1x80xi32, #tpu.memory_space<vmem>>
      %dma_wait3A_204 = tpu.memref_squeeze %dma_wait3A_203 : memref<1x80xi32, #tpu.memory_space<vmem>> -> memref<80xi32, #tpu.memory_space<vmem>>
      %dma_wait3A_205 = arith.constant 0 : i32
      %dma_wait3A_206 = arith.constant 0 : i32
      %dma_wait3A_207 = tpu.memref_slice %arg6[%dma_wait3A_205, %dma_wait3A_206] : memref<100096x16xf32, #tpu.memory_space<vmem_shared>> -> memref<100096x16xf32, #tpu.memory_space<vmem_shared>>
      tpu.wait_indirect_dma semaphore(%arg11 : memref<!tpu.dma_semaphore, #tpu.memory_space<semaphore_mem>>) src(%dma_wait3A_207 : memref<100096x16xf32, #tpu.memory_space<vmem_shared>>) dst(%dma_wait3A_201 : memref<80x16xf32, #tpu.memory_space<vmem>>)
      %dma_wait3A_208 = arith.constant 4 : i32
      %dma_wait3A_209 = arith.constant 320 : i32
      %dma_wait3A_210 = arith.constant 0 : i32
      %dma_wait3A_211 = tpu.memref_slice %arg8[%dma_wait3A_209, %dma_wait3A_210] : memref<800x16xf32, #tpu.memory_space<vmem>> -> memref<80x16xf32, #tpu.memory_space<vmem>>
      %dma_wait3A_212 = arith.constant 0 : i32
      %dma_wait3A_213 = tpu.memref_slice %arg7[%dma_wait3A_208, %dma_wait3A_212] : memref<10x80xi32, #tpu.memory_space<vmem>> -> memref<1x80xi32, #tpu.memory_space<vmem>>
      %dma_wait3A_214 = tpu.memref_squeeze %dma_wait3A_213 : memref<1x80xi32, #tpu.memory_space<vmem>> -> memref<80xi32, #tpu.memory_space<vmem>>
      %dma_wait3A_215 = arith.constant 0 : i32
      %dma_wait3A_216 = arith.constant 0 : i32
      %dma_wait3A_217 = tpu.memref_slice %arg6[%dma_wait3A_215, %dma_wait3A_216] : memref<100096x16xf32, #tpu.memory_space<vmem_shared>> -> memref<100096x16xf32, #tpu.memory_space<vmem_shared>>
      tpu.wait_indirect_dma semaphore(%arg11 : memref<!tpu.dma_semaphore, #tpu.memory_space<semaphore_mem>>) src(%dma_wait3A_217 : memref<100096x16xf32, #tpu.memory_space<vmem_shared>>) dst(%dma_wait3A_211 : memref<80x16xf32, #tpu.memory_space<vmem>>)
      %dma_wait3A_218 = arith.constant 5 : i32
      %dma_wait3A_219 = arith.constant 400 : i32
      %dma_wait3A_220 = arith.constant 0 : i32
      %dma_wait3A_221 = tpu.memref_slice %arg8[%dma_wait3A_219, %dma_wait3A_220] : memref<800x16xf32, #tpu.memory_space<vmem>> -> memref<80x16xf32, #tpu.memory_space<vmem>>
      %dma_wait3A_222 = arith.constant 0 : i32
      %dma_wait3A_223 = tpu.memref_slice %arg7[%dma_wait3A_218, %dma_wait3A_222] : memref<10x80xi32, #tpu.memory_space<vmem>> -> memref<1x80xi32, #tpu.memory_space<vmem>>
      %dma_wait3A_224 = tpu.memref_squeeze %dma_wait3A_223 : memref<1x80xi32, #tpu.memory_space<vmem>> -> memref<80xi32, #tpu.memory_space<vmem>>
      %dma_wait3A_225 = arith.constant 0 : i32
      %dma_wait3A_226 = arith.constant 0 : i32
      %dma_wait3A_227 = tpu.memref_slice %arg6[%dma_wait3A_225, %dma_wait3A_226] : memref<100096x16xf32, #tpu.memory_space<vmem_shared>> -> memref<100096x16xf32, #tpu.memory_space<vmem_shared>>
      tpu.wait_indirect_dma semaphore(%arg11 : memref<!tpu.dma_semaphore, #tpu.memory_space<semaphore_mem>>) src(%dma_wait3A_227 : memref<100096x16xf32, #tpu.memory_space<vmem_shared>>) dst(%dma_wait3A_221 : memref<80x16xf32, #tpu.memory_space<vmem>>)
      %dma_wait3A_228 = arith.constant 6 : i32
      %dma_wait3A_229 = arith.constant 480 : i32
      %dma_wait3A_230 = arith.constant 0 : i32
      %dma_wait3A_231 = tpu.memref_slice %arg8[%dma_wait3A_229, %dma_wait3A_230] : memref<800x16xf32, #tpu.memory_space<vmem>> -> memref<80x16xf32, #tpu.memory_space<vmem>>
      %dma_wait3A_232 = arith.constant 0 : i32
      %dma_wait3A_233 = tpu.memref_slice %arg7[%dma_wait3A_228, %dma_wait3A_232] : memref<10x80xi32, #tpu.memory_space<vmem>> -> memref<1x80xi32, #tpu.memory_space<vmem>>
      %dma_wait3A_234 = tpu.memref_squeeze %dma_wait3A_233 : memref<1x80xi32, #tpu.memory_space<vmem>> -> memref<80xi32, #tpu.memory_space<vmem>>
      %dma_wait3A_235 = arith.constant 0 : i32
      %dma_wait3A_236 = arith.constant 0 : i32
      %dma_wait3A_237 = tpu.memref_slice %arg6[%dma_wait3A_235, %dma_wait3A_236] : memref<100096x16xf32, #tpu.memory_space<vmem_shared>> -> memref<100096x16xf32, #tpu.memory_space<vmem_shared>>
      tpu.wait_indirect_dma semaphore(%arg11 : memref<!tpu.dma_semaphore, #tpu.memory_space<semaphore_mem>>) src(%dma_wait3A_237 : memref<100096x16xf32, #tpu.memory_space<vmem_shared>>) dst(%dma_wait3A_231 : memref<80x16xf32, #tpu.memory_space<vmem>>)
      %dma_wait3A_238 = arith.constant 7 : i32
      %dma_wait3A_239 = arith.constant 560 : i32
      %dma_wait3A_240 = arith.constant 0 : i32
      %dma_wait3A_241 = tpu.memref_slice %arg8[%dma_wait3A_239, %dma_wait3A_240] : memref<800x16xf32, #tpu.memory_space<vmem>> -> memref<80x16xf32, #tpu.memory_space<vmem>>
      %dma_wait3A_242 = arith.constant 0 : i32
      %dma_wait3A_243 = tpu.memref_slice %arg7[%dma_wait3A_238, %dma_wait3A_242] : memref<10x80xi32, #tpu.memory_space<vmem>> -> memref<1x80xi32, #tpu.memory_space<vmem>>
      %dma_wait3A_244 = tpu.memref_squeeze %dma_wait3A_243 : memref<1x80xi32, #tpu.memory_space<vmem>> -> memref<80xi32, #tpu.memory_space<vmem>>
      %dma_wait3A_245 = arith.constant 0 : i32
      %dma_wait3A_246 = arith.constant 0 : i32
      %dma_wait3A_247 = tpu.memref_slice %arg6[%dma_wait3A_245, %dma_wait3A_246] : memref<100096x16xf32, #tpu.memory_space<vmem_shared>> -> memref<100096x16xf32, #tpu.memory_space<vmem_shared>>
      tpu.wait_indirect_dma semaphore(%arg11 : memref<!tpu.dma_semaphore, #tpu.memory_space<semaphore_mem>>) src(%dma_wait3A_247 : memref<100096x16xf32, #tpu.memory_space<vmem_shared>>) dst(%dma_wait3A_241 : memref<80x16xf32, #tpu.memory_space<vmem>>)
      %dma_wait3A_248 = arith.constant 8 : i32
      %dma_wait3A_249 = arith.constant 640 : i32
      %dma_wait3A_250 = arith.constant 0 : i32
      %dma_wait3A_251 = tpu.memref_slice %arg8[%dma_wait3A_249, %dma_wait3A_250] : memref<800x16xf32, #tpu.memory_space<vmem>> -> memref<80x16xf32, #tpu.memory_space<vmem>>
      %dma_wait3A_252 = arith.constant 0 : i32
      %dma_wait3A_253 = tpu.memref_slice %arg7[%dma_wait3A_248, %dma_wait3A_252] : memref<10x80xi32, #tpu.memory_space<vmem>> -> memref<1x80xi32, #tpu.memory_space<vmem>>
      %dma_wait3A_254 = tpu.memref_squeeze %dma_wait3A_253 : memref<1x80xi32, #tpu.memory_space<vmem>> -> memref<80xi32, #tpu.memory_space<vmem>>
      %dma_wait3A_255 = arith.constant 0 : i32
      %dma_wait3A_256 = arith.constant 0 : i32
      %dma_wait3A_257 = tpu.memref_slice %arg6[%dma_wait3A_255, %dma_wait3A_256] : memref<100096x16xf32, #tpu.memory_space<vmem_shared>> -> memref<100096x16xf32, #tpu.memory_space<vmem_shared>>
      tpu.wait_indirect_dma semaphore(%arg11 : memref<!tpu.dma_semaphore, #tpu.memory_space<semaphore_mem>>) src(%dma_wait3A_257 : memref<100096x16xf32, #tpu.memory_space<vmem_shared>>) dst(%dma_wait3A_251 : memref<80x16xf32, #tpu.memory_space<vmem>>)
      %dma_wait3A_258 = arith.constant 9 : i32
      %dma_wait3A_259 = arith.constant 720 : i32
      %dma_wait3A_260 = arith.constant 0 : i32
      %dma_wait3A_261 = tpu.memref_slice %arg8[%dma_wait3A_259, %dma_wait3A_260] : memref<800x16xf32, #tpu.memory_space<vmem>> -> memref<80x16xf32, #tpu.memory_space<vmem>>
      %dma_wait3A_262 = arith.constant 0 : i32
      %dma_wait3A_263 = tpu.memref_slice %arg7[%dma_wait3A_258, %dma_wait3A_262] : memref<10x80xi32, #tpu.memory_space<vmem>> -> memref<1x80xi32, #tpu.memory_space<vmem>>
      %dma_wait3A_264 = tpu.memref_squeeze %dma_wait3A_263 : memref<1x80xi32, #tpu.memory_space<vmem>> -> memref<80xi32, #tpu.memory_space<vmem>>
      %dma_wait3A_265 = arith.constant 0 : i32
      %dma_wait3A_266 = arith.constant 0 : i32
      %dma_wait3A_267 = tpu.memref_slice %arg6[%dma_wait3A_265, %dma_wait3A_266] : memref<100096x16xf32, #tpu.memory_space<vmem_shared>> -> memref<100096x16xf32, #tpu.memory_space<vmem_shared>>
      tpu.wait_indirect_dma semaphore(%arg11 : memref<!tpu.dma_semaphore, #tpu.memory_space<semaphore_mem>>) src(%dma_wait3A_267 : memref<100096x16xf32, #tpu.memory_space<vmem_shared>>) dst(%dma_wait3A_261 : memref<80x16xf32, #tpu.memory_space<vmem>>)
      %scan3A = arith.constant 0 : i32
      %scan3A_268 = arith.constant 0 : i32
      %scan3A_269 = arith.constant 50 : i32
      %scan3A_270 = arith.addi %scan3A_268, %scan3A_269 : i32
      %scan3A_271 = arith.constant 1 : i32
      scf.for %scan3A_279 = %scan3A_268 to %scan3A_270 step %scan3A_271  : i32 {
        %mul3A_280 = arith.constant 16 : i32
        %mul3A_281 = arith.muli %scan3A_279, %mul3A_280 : i32
        %multiple_of3A_282 = tpu.assume_multiple %mul3A_281, 8 : i32
        %mul3A_283 = arith.constant 16 : i32
        %mul3A_284 = arith.muli %scan3A_279, %mul3A_283 : i32
        %add3A_285 = vector.broadcast %mul3A_284 : i32 to vector<16xi32>
        %add3A_286 = arith.addi %add3A_285, %iota3A : vector<16xi32>
        %get3A = arith.index_cast %multiple_of3A_282 : i32 to index
        %get3A_287 = tpu.vector_load %arg9[%get3A] {strides = array<i32>} : memref<2400xf32, #tpu.memory_space<vmem>>, vector<16xf32>,
        %add3A_288 = arith.constant 800 : i32
        %add3A_289 = arith.addi %add3A_288, %multiple_of3A_282 : i32
        %get3A_290 = arith.index_cast %add3A_289 : i32 to index
        %get3A_291 = tpu.vector_load %arg9[%get3A_290] {strides = array<i32>} : memref<2400xf32, #tpu.memory_space<vmem>>, vector<16xf32>,
        %add3A_292 = arith.constant 1600 : i32
        %add3A_293 = arith.addi %add3A_292, %multiple_of3A_282 : i32
        %get3A_294 = arith.index_cast %add3A_293 : i32 to index
        %get3A_295 = tpu.vector_load %arg9[%get3A_294] {strides = array<i32>} : memref<2400xf32, #tpu.memory_space<vmem>>, vector<16xf32>,
        %gather3A = tpu.vector_load_idx %arg8[%add3A_286, %broadcast_in_dim3A_1] : memref<800x16xf32, #tpu.memory_space<vmem>>[vector<16xi32>, vector<16xi32>], vector<16xf32>,
        %gather3A_296 = tpu.vector_load_idx %arg8[%add3A_286, %broadcast_in_dim3A_7] : memref<800x16xf32, #tpu.memory_space<vmem>>[vector<16xi32>, vector<16xi32>], vector<16xf32>,
        %gather3A_297 = tpu.vector_load_idx %arg8[%add3A_286, %broadcast_in_dim3A_13] : memref<800x16xf32, #tpu.memory_space<vmem>>[vector<16xi32>, vector<16xi32>], vector<16xf32>,
        %gather3A_298 = tpu.vector_load_idx %arg8[%add3A_286, %broadcast_in_dim3A_19] : memref<800x16xf32, #tpu.memory_space<vmem>>[vector<16xi32>, vector<16xi32>], vector<16xf32>,
        %mul3A_299 = arith.mulf %get3A_287, %gather3A_296 : vector<16xf32>
        %add3A_300 = arith.addf %gather3A, %mul3A_299 : vector<16xf32>
        %mul3A_301 = arith.mulf %get3A_291, %gather3A_297 : vector<16xf32>
        %add3A_302 = arith.addf %add3A_300, %mul3A_301 : vector<16xf32>
        %mul3A_303 = arith.mulf %get3A_295, %gather3A_298 : vector<16xf32>
        %add3A_304 = arith.addf %add3A_302, %mul3A_303 : vector<16xf32>
        %add3A_305 = arith.constant 0 : i32
        %add3A_306 = arith.addi %add3A_305, %multiple_of3A_282 : i32
        %swap3A = arith.index_cast %add3A_306 : i32 to index
        %swap3A_307 = tpu.vector_load %arg10[%swap3A] {strides = array<i32>} : memref<2400xf32, #tpu.memory_space<vmem>>, vector<16xf32>,
        tpu.vector_store %arg10[%swap3A], %add3A_304 {strides = array<i32>} : memref<2400xf32, #tpu.memory_space<vmem>>, vector<16xf32>,
        %gather3A_308 = tpu.vector_load_idx %arg8[%add3A_286, %broadcast_in_dim3A_3] : memref<800x16xf32, #tpu.memory_space<vmem>>[vector<16xi32>, vector<16xi32>], vector<16xf32>,
        %gather3A_309 = tpu.vector_load_idx %arg8[%add3A_286, %broadcast_in_dim3A_9] : memref<800x16xf32, #tpu.memory_space<vmem>>[vector<16xi32>, vector<16xi32>], vector<16xf32>,
        %gather3A_310 = tpu.vector_load_idx %arg8[%add3A_286, %broadcast_in_dim3A_15] : memref<800x16xf32, #tpu.memory_space<vmem>>[vector<16xi32>, vector<16xi32>], vector<16xf32>,
        %gather3A_311 = tpu.vector_load_idx %arg8[%add3A_286, %broadcast_in_dim3A_21] : memref<800x16xf32, #tpu.memory_space<vmem>>[vector<16xi32>, vector<16xi32>], vector<16xf32>,
        %mul3A_312 = arith.mulf %get3A_287, %gather3A_309 : vector<16xf32>
        %add3A_313 = arith.addf %gather3A_308, %mul3A_312 : vector<16xf32>
        %mul3A_314 = arith.mulf %get3A_291, %gather3A_310 : vector<16xf32>
        %add3A_315 = arith.addf %add3A_313, %mul3A_314 : vector<16xf32>
        %mul3A_316 = arith.mulf %get3A_295, %gather3A_311 : vector<16xf32>
        %add3A_317 = arith.addf %add3A_315, %mul3A_316 : vector<16xf32>
        %add3A_318 = arith.constant 800 : i32
        %add3A_319 = arith.addi %add3A_318, %multiple_of3A_282 : i32
        %swap3A_320 = arith.index_cast %add3A_319 : i32 to index
        %swap3A_321 = tpu.vector_load %arg10[%swap3A_320] {strides = array<i32>} : memref<2400xf32, #tpu.memory_space<vmem>>, vector<16xf32>,
        tpu.vector_store %arg10[%swap3A_320], %add3A_317 {strides = array<i32>} : memref<2400xf32, #tpu.memory_space<vmem>>, vector<16xf32>,
        %gather3A_322 = tpu.vector_load_idx %arg8[%add3A_286, %broadcast_in_dim3A_5] : memref<800x16xf32, #tpu.memory_space<vmem>>[vector<16xi32>, vector<16xi32>], vector<16xf32>,
        %gather3A_323 = tpu.vector_load_idx %arg8[%add3A_286, %broadcast_in_dim3A_11] : memref<800x16xf32, #tpu.memory_space<vmem>>[vector<16xi32>, vector<16xi32>], vector<16xf32>,
        %gather3A_324 = tpu.vector_load_idx %arg8[%add3A_286, %broadcast_in_dim3A_17] : memref<800x16xf32, #tpu.memory_space<vmem>>[vector<16xi32>, vector<16xi32>], vector<16xf32>,
        %gather3A_325 = tpu.vector_load_idx %arg8[%add3A_286, %broadcast_in_dim3A_23] : memref<800x16xf32, #tpu.memory_space<vmem>>[vector<16xi32>, vector<16xi32>], vector<16xf32>,
        %mul3A_326 = arith.mulf %get3A_287, %gather3A_323 : vector<16xf32>
        %add3A_327 = arith.addf %gather3A_322, %mul3A_326 : vector<16xf32>
        %mul3A_328 = arith.mulf %get3A_291, %gather3A_324 : vector<16xf32>
        %add3A_329 = arith.addf %add3A_327, %mul3A_328 : vector<16xf32>
        %mul3A_330 = arith.mulf %get3A_295, %gather3A_325 : vector<16xf32>
        %add3A_331 = arith.addf %add3A_329, %mul3A_330 : vector<16xf32>
        %add3A_332 = arith.constant 1600 : i32
        %add3A_333 = arith.addi %add3A_332, %multiple_of3A_282 : i32
        %swap3A_334 = arith.index_cast %add3A_333 : i32 to index
        %swap3A_335 = tpu.vector_load %arg10[%swap3A_334] {strides = array<i32>} : memref<2400xf32, #tpu.memory_space<vmem>>, vector<16xf32>,
        tpu.vector_store %arg10[%swap3A_334], %add3A_331 {strides = array<i32>} : memref<2400xf32, #tpu.memory_space<vmem>>, vector<16xf32>,
      }
      %scan3A_272 = arith.constant 50 : i32
      %add3A_273 = arith.constant 0 : i32
      %add3A_274 = arith.addi %add3A_273, %multiple_of3A_63 : i32
      "tpu.region"() ({
        %run_scoped3A = tpu.sem_alloc : memref<!tpu.dma_semaphore, #tpu.memory_space<semaphore_mem>>
        %dma_start3A_279 = arith.constant 0 : i32
        %dma_start3A_280 = tpu.memref_slice %arg10[%dma_start3A_279] : memref<2400xf32, #tpu.memory_space<vmem>> -> memref<800xf32, #tpu.memory_space<vmem>>
        %dma_start3A_281 = tpu.memref_slice %arg5[%add3A_274] : memref<3000000xf32, #tpu.memory_space<hbm>> -> memref<800xf32, #tpu.memory_space<hbm>>
        %dma_start3A_282 = tpu.memref_slice %arg5[%add3A_274] : memref<3000000xf32, #tpu.memory_space<hbm>> -> memref<800xf32, #tpu.memory_space<hbm>>
        %dma_start3A_283 = arith.constant 0 : i32
        %dma_start3A_284 = tpu.memref_slice %arg10[%dma_start3A_283] : memref<2400xf32, #tpu.memory_space<vmem>> -> memref<800xf32, #tpu.memory_space<vmem>>
        tpu.enqueue_dma source(%dma_start3A_284 : memref<800xf32, #tpu.memory_space<vmem>>) target(%dma_start3A_282 : memref<800xf32, #tpu.memory_space<hbm>>) target_semaphore(%run_scoped3A : memref<!tpu.dma_semaphore, #tpu.memory_space<semaphore_mem>>)
        %dma_wait3A_285 = arith.constant 0 : i32
        %dma_wait3A_286 = tpu.memref_slice %arg10[%dma_wait3A_285] : memref<2400xf32, #tpu.memory_space<vmem>> -> memref<800xf32, #tpu.memory_space<vmem>>
        %dma_wait3A_287 = tpu.memref_slice %arg5[%add3A_274] : memref<3000000xf32, #tpu.memory_space<hbm>> -> memref<800xf32, #tpu.memory_space<hbm>>
        %dma_wait3A_288 = tpu.memref_slice %arg5[%add3A_274] : memref<3000000xf32, #tpu.memory_space<hbm>> -> memref<800xf32, #tpu.memory_space<hbm>>
        %dma_wait3A_289 = arith.constant 0 : i32
        %dma_wait3A_290 = tpu.memref_slice %arg10[%dma_wait3A_289] : memref<2400xf32, #tpu.memory_space<vmem>> -> memref<800xf32, #tpu.memory_space<vmem>>
        tpu.wait_dma2 semaphore(%run_scoped3A : memref<!tpu.dma_semaphore, #tpu.memory_space<semaphore_mem>>) src(%dma_wait3A_290 : memref<800xf32, #tpu.memory_space<vmem>>) dst(%dma_wait3A_288 : memref<800xf32, #tpu.memory_space<hbm>>)
        tpu.yield
      }) : () -> ()
      %add3A_275 = arith.constant 1000000 : i32
      %add3A_276 = arith.addi %add3A_275, %multiple_of3A_63 : i32
      "tpu.region"() ({
        %run_scoped3A = tpu.sem_alloc : memref<!tpu.dma_semaphore, #tpu.memory_space<semaphore_mem>>
        %dma_start3A_279 = arith.constant 800 : i32
        %dma_start3A_280 = tpu.memref_slice %arg10[%dma_start3A_279] : memref<2400xf32, #tpu.memory_space<vmem>> -> memref<800xf32, #tpu.memory_space<vmem>>
        %dma_start3A_281 = tpu.memref_slice %arg5[%add3A_276] : memref<3000000xf32, #tpu.memory_space<hbm>> -> memref<800xf32, #tpu.memory_space<hbm>>
        %dma_start3A_282 = tpu.memref_slice %arg5[%add3A_276] : memref<3000000xf32, #tpu.memory_space<hbm>> -> memref<800xf32, #tpu.memory_space<hbm>>
        %dma_start3A_283 = arith.constant 800 : i32
        %dma_start3A_284 = tpu.memref_slice %arg10[%dma_start3A_283] : memref<2400xf32, #tpu.memory_space<vmem>> -> memref<800xf32, #tpu.memory_space<vmem>>
        tpu.enqueue_dma source(%dma_start3A_284 : memref<800xf32, #tpu.memory_space<vmem>>) target(%dma_start3A_282 : memref<800xf32, #tpu.memory_space<hbm>>) target_semaphore(%run_scoped3A : memref<!tpu.dma_semaphore, #tpu.memory_space<semaphore_mem>>)
        %dma_wait3A_285 = arith.constant 800 : i32
        %dma_wait3A_286 = tpu.memref_slice %arg10[%dma_wait3A_285] : memref<2400xf32, #tpu.memory_space<vmem>> -> memref<800xf32, #tpu.memory_space<vmem>>
        %dma_wait3A_287 = tpu.memref_slice %arg5[%add3A_276] : memref<3000000xf32, #tpu.memory_space<hbm>> -> memref<800xf32, #tpu.memory_space<hbm>>
        %dma_wait3A_288 = tpu.memref_slice %arg5[%add3A_276] : memref<3000000xf32, #tpu.memory_space<hbm>> -> memref<800xf32, #tpu.memory_space<hbm>>
        %dma_wait3A_289 = arith.constant 800 : i32
        %dma_wait3A_290 = tpu.memref_slice %arg10[%dma_wait3A_289] : memref<2400xf32, #tpu.memory_space<vmem>> -> memref<800xf32, #tpu.memory_space<vmem>>
        tpu.wait_dma2 semaphore(%run_scoped3A : memref<!tpu.dma_semaphore, #tpu.memory_space<semaphore_mem>>) src(%dma_wait3A_290 : memref<800xf32, #tpu.memory_space<vmem>>) dst(%dma_wait3A_288 : memref<800xf32, #tpu.memory_space<hbm>>)
        tpu.yield
      }) : () -> ()
      %add3A_277 = arith.constant 2000000 : i32
      %add3A_278 = arith.addi %add3A_277, %multiple_of3A_63 : i32
      "tpu.region"() ({
        %run_scoped3A = tpu.sem_alloc : memref<!tpu.dma_semaphore, #tpu.memory_space<semaphore_mem>>
        %dma_start3A_279 = arith.constant 1600 : i32
        %dma_start3A_280 = tpu.memref_slice %arg10[%dma_start3A_279] : memref<2400xf32, #tpu.memory_space<vmem>> -> memref<800xf32, #tpu.memory_space<vmem>>
        %dma_start3A_281 = tpu.memref_slice %arg5[%add3A_278] : memref<3000000xf32, #tpu.memory_space<hbm>> -> memref<800xf32, #tpu.memory_space<hbm>>
        %dma_start3A_282 = tpu.memref_slice %arg5[%add3A_278] : memref<3000000xf32, #tpu.memory_space<hbm>> -> memref<800xf32, #tpu.memory_space<hbm>>
        %dma_start3A_283 = arith.constant 1600 : i32
        %dma_start3A_284 = tpu.memref_slice %arg10[%dma_start3A_283] : memref<2400xf32, #tpu.memory_space<vmem>> -> memref<800xf32, #tpu.memory_space<vmem>>
        tpu.enqueue_dma source(%dma_start3A_284 : memref<800xf32, #tpu.memory_space<vmem>>) target(%dma_start3A_282 : memref<800xf32, #tpu.memory_space<hbm>>) target_semaphore(%run_scoped3A : memref<!tpu.dma_semaphore, #tpu.memory_space<semaphore_mem>>)
        %dma_wait3A_285 = arith.constant 1600 : i32
        %dma_wait3A_286 = tpu.memref_slice %arg10[%dma_wait3A_285] : memref<2400xf32, #tpu.memory_space<vmem>> -> memref<800xf32, #tpu.memory_space<vmem>>
        %dma_wait3A_287 = tpu.memref_slice %arg5[%add3A_278] : memref<3000000xf32, #tpu.memory_space<hbm>> -> memref<800xf32, #tpu.memory_space<hbm>>
        %dma_wait3A_288 = tpu.memref_slice %arg5[%add3A_278] : memref<3000000xf32, #tpu.memory_space<hbm>> -> memref<800xf32, #tpu.memory_space<hbm>>
        %dma_wait3A_289 = arith.constant 1600 : i32
        %dma_wait3A_290 = tpu.memref_slice %arg10[%dma_wait3A_289] : memref<2400xf32, #tpu.memory_space<vmem>> -> memref<800xf32, #tpu.memory_space<vmem>>
        tpu.wait_dma2 semaphore(%run_scoped3A : memref<!tpu.dma_semaphore, #tpu.memory_space<semaphore_mem>>) src(%dma_wait3A_290 : memref<800xf32, #tpu.memory_space<vmem>>) dst(%dma_wait3A_288 : memref<800xf32, #tpu.memory_space<hbm>>)
        tpu.yield
      }) : () -> ()
    }
    %while3A_56 = arith.constant 1 : i32
    scf.for %while3A_57 = %while3A_54 to %while3A_50 step %while3A_56  : i32 {
      %mul3A_58 = arith.constant 32 : i32
      %mul3A_59 = arith.muli %while3A_57, %mul3A_58 : i32
      %add3A_60 = arith.addi %add3A, %mul3A_59 : i32
      %mul3A_61 = arith.constant 800 : i32
      %mul3A_62 = arith.muli %add3A_60, %mul3A_61 : i32
      %multiple_of3A_63 = tpu.assume_multiple %mul3A_62, 8 : i32
      "tpu.region"() ({
        %run_scoped3A = tpu.sem_alloc : memref<!tpu.dma_semaphore, #tpu.memory_space<semaphore_mem>>
        %dma_start3A_279 = arith.constant 0 : i32
        %dma_start3A_280 = arith.constant 0 : i32
        %dma_start3A_281 = tpu.memref_slice %arg3[%add3A_60, %dma_start3A_279, %dma_start3A_280] : memref<1250x10x80xi32, #tpu.memory_space<hbm>> -> memref<1x10x80xi32, #tpu.memory_space<hbm>>
        %dma_start3A_282 = tpu.memref_squeeze %dma_start3A_281 : memref<1x10x80xi32, #tpu.memory_space<hbm>> -> memref<10x80xi32, #tpu.memory_space<hbm>>
        %dma_start3A_283 = arith.constant 0 : i32
        %dma_start3A_284 = arith.constant 0 : i32
        %dma_start3A_285 = tpu.memref_slice %arg3[%add3A_60, %dma_start3A_283, %dma_start3A_284] : memref<1250x10x80xi32, #tpu.memory_space<hbm>> -> memref<1x10x80xi32, #tpu.memory_space<hbm>>
        %dma_start3A_286 = tpu.memref_squeeze %dma_start3A_285 : memref<1x10x80xi32, #tpu.memory_space<hbm>> -> memref<10x80xi32, #tpu.memory_space<hbm>>
        tpu.enqueue_dma source(%dma_start3A_286 : memref<10x80xi32, #tpu.memory_space<hbm>>) target(%arg7 : memref<10x80xi32, #tpu.memory_space<vmem>>) target_semaphore(%run_scoped3A : memref<!tpu.dma_semaphore, #tpu.memory_space<semaphore_mem>>)
        %dma_wait3A_287 = arith.constant 0 : i32
        %dma_wait3A_288 = arith.constant 0 : i32
        %dma_wait3A_289 = tpu.memref_slice %arg3[%add3A_60, %dma_wait3A_287, %dma_wait3A_288] : memref<1250x10x80xi32, #tpu.memory_space<hbm>> -> memref<1x10x80xi32, #tpu.memory_space<hbm>>
        %dma_wait3A_290 = tpu.memref_squeeze %dma_wait3A_289 : memref<1x10x80xi32, #tpu.memory_space<hbm>> -> memref<10x80xi32, #tpu.memory_space<hbm>>
        %dma_wait3A_291 = arith.constant 0 : i32
        %dma_wait3A_292 = arith.constant 0 : i32
        %dma_wait3A_293 = tpu.memref_slice %arg3[%add3A_60, %dma_wait3A_291, %dma_wait3A_292] : memref<1250x10x80xi32, #tpu.memory_space<hbm>> -> memref<1x10x80xi32, #tpu.memory_space<hbm>>
        %dma_wait3A_294 = tpu.memref_squeeze %dma_wait3A_293 : memref<1x10x80xi32, #tpu.memory_space<hbm>> -> memref<10x80xi32, #tpu.memory_space<hbm>>
        tpu.wait_dma2 semaphore(%run_scoped3A : memref<!tpu.dma_semaphore, #tpu.memory_space<semaphore_mem>>) src(%dma_wait3A_294 : memref<10x80xi32, #tpu.memory_space<hbm>>) dst(%arg7 : memref<10x80xi32, #tpu.memory_space<vmem>>)
        tpu.yield
      }) : () -> ()
      %dma_start3A = arith.constant 0 : i32
      %dma_start3A_64 = arith.constant 0 : i32
      %dma_start3A_65 = arith.constant 0 : i32
      %dma_start3A_66 = tpu.memref_slice %arg8[%dma_start3A_64, %dma_start3A_65] : memref<800x16xf32, #tpu.memory_space<vmem>> -> memref<80x16xf32, #tpu.memory_space<vmem>>
      %dma_start3A_67 = arith.constant 0 : i32
      %dma_start3A_68 = tpu.memref_slice %arg7[%dma_start3A, %dma_start3A_67] : memref<10x80xi32, #tpu.memory_space<vmem>> -> memref<1x80xi32, #tpu.memory_space<vmem>>
      %dma_start3A_69 = tpu.memref_squeeze %dma_start3A_68 : memref<1x80xi32, #tpu.memory_space<vmem>> -> memref<80xi32, #tpu.memory_space<vmem>>
      %dma_start3A_70 = arith.constant 0 : i32
      %dma_start3A_71 = arith.constant 0 : i32
      %dma_start3A_72 = tpu.memref_slice %arg6[%dma_start3A_70, %dma_start3A_71] : memref<100096x16xf32, #tpu.memory_space<vmem_shared>> -> memref<100096x16xf32, #tpu.memory_space<vmem_shared>>
      tpu.enqueue_indirect_dma source(%dma_start3A_72 : memref<100096x16xf32, #tpu.memory_space<vmem_shared>>) target(%dma_start3A_66 : memref<80x16xf32, #tpu.memory_space<vmem>>) offsets(%dma_start3A_69 : memref<80xi32, #tpu.memory_space<vmem>>) semaphore(%arg11 : memref<!tpu.dma_semaphore, #tpu.memory_space<semaphore_mem>>)
      %dma_start3A_73 = arith.constant 1 : i32
      %dma_start3A_74 = arith.constant 80 : i32
      %dma_start3A_75 = arith.constant 0 : i32
      %dma_start3A_76 = tpu.memref_slice %arg8[%dma_start3A_74, %dma_start3A_75] : memref<800x16xf32, #tpu.memory_space<vmem>> -> memref<80x16xf32, #tpu.memory_space<vmem>>
      %dma_start3A_77 = arith.constant 0 : i32
      %dma_start3A_78 = tpu.memref_slice %arg7[%dma_start3A_73, %dma_start3A_77] : memref<10x80xi32, #tpu.memory_space<vmem>> -> memref<1x80xi32, #tpu.memory_space<vmem>>
      %dma_start3A_79 = tpu.memref_squeeze %dma_start3A_78 : memref<1x80xi32, #tpu.memory_space<vmem>> -> memref<80xi32, #tpu.memory_space<vmem>>
      %dma_start3A_80 = arith.constant 0 : i32
      %dma_start3A_81 = arith.constant 0 : i32
      %dma_start3A_82 = tpu.memref_slice %arg6[%dma_start3A_80, %dma_start3A_81] : memref<100096x16xf32, #tpu.memory_space<vmem_shared>> -> memref<100096x16xf32, #tpu.memory_space<vmem_shared>>
      tpu.enqueue_indirect_dma source(%dma_start3A_82 : memref<100096x16xf32, #tpu.memory_space<vmem_shared>>) target(%dma_start3A_76 : memref<80x16xf32, #tpu.memory_space<vmem>>) offsets(%dma_start3A_79 : memref<80xi32, #tpu.memory_space<vmem>>) semaphore(%arg11 : memref<!tpu.dma_semaphore, #tpu.memory_space<semaphore_mem>>)
      %dma_start3A_83 = arith.constant 2 : i32
      %dma_start3A_84 = arith.constant 160 : i32
      %dma_start3A_85 = arith.constant 0 : i32
      %dma_start3A_86 = tpu.memref_slice %arg8[%dma_start3A_84, %dma_start3A_85] : memref<800x16xf32, #tpu.memory_space<vmem>> -> memref<80x16xf32, #tpu.memory_space<vmem>>
      %dma_start3A_87 = arith.constant 0 : i32
      %dma_start3A_88 = tpu.memref_slice %arg7[%dma_start3A_83, %dma_start3A_87] : memref<10x80xi32, #tpu.memory_space<vmem>> -> memref<1x80xi32, #tpu.memory_space<vmem>>
      %dma_start3A_89 = tpu.memref_squeeze %dma_start3A_88 : memref<1x80xi32, #tpu.memory_space<vmem>> -> memref<80xi32, #tpu.memory_space<vmem>>
      %dma_start3A_90 = arith.constant 0 : i32
      %dma_start3A_91 = arith.constant 0 : i32
      %dma_start3A_92 = tpu.memref_slice %arg6[%dma_start3A_90, %dma_start3A_91] : memref<100096x16xf32, #tpu.memory_space<vmem_shared>> -> memref<100096x16xf32, #tpu.memory_space<vmem_shared>>
      tpu.enqueue_indirect_dma source(%dma_start3A_92 : memref<100096x16xf32, #tpu.memory_space<vmem_shared>>) target(%dma_start3A_86 : memref<80x16xf32, #tpu.memory_space<vmem>>) offsets(%dma_start3A_89 : memref<80xi32, #tpu.memory_space<vmem>>) semaphore(%arg11 : memref<!tpu.dma_semaphore, #tpu.memory_space<semaphore_mem>>)
      %dma_start3A_93 = arith.constant 3 : i32
      %dma_start3A_94 = arith.constant 240 : i32
      %dma_start3A_95 = arith.constant 0 : i32
      %dma_start3A_96 = tpu.memref_slice %arg8[%dma_start3A_94, %dma_start3A_95] : memref<800x16xf32, #tpu.memory_space<vmem>> -> memref<80x16xf32, #tpu.memory_space<vmem>>
      %dma_start3A_97 = arith.constant 0 : i32
      %dma_start3A_98 = tpu.memref_slice %arg7[%dma_start3A_93, %dma_start3A_97] : memref<10x80xi32, #tpu.memory_space<vmem>> -> memref<1x80xi32, #tpu.memory_space<vmem>>
      %dma_start3A_99 = tpu.memref_squeeze %dma_start3A_98 : memref<1x80xi32, #tpu.memory_space<vmem>> -> memref<80xi32, #tpu.memory_space<vmem>>
      %dma_start3A_100 = arith.constant 0 : i32
      %dma_start3A_101 = arith.constant 0 : i32
      %dma_start3A_102 = tpu.memref_slice %arg6[%dma_start3A_100, %dma_start3A_101] : memref<100096x16xf32, #tpu.memory_space<vmem_shared>> -> memref<100096x16xf32, #tpu.memory_space<vmem_shared>>
      tpu.enqueue_indirect_dma source(%dma_start3A_102 : memref<100096x16xf32, #tpu.memory_space<vmem_shared>>) target(%dma_start3A_96 : memref<80x16xf32, #tpu.memory_space<vmem>>) offsets(%dma_start3A_99 : memref<80xi32, #tpu.memory_space<vmem>>) semaphore(%arg11 : memref<!tpu.dma_semaphore, #tpu.memory_space<semaphore_mem>>)
      %dma_start3A_103 = arith.constant 4 : i32
      %dma_start3A_104 = arith.constant 320 : i32
      %dma_start3A_105 = arith.constant 0 : i32
      %dma_start3A_106 = tpu.memref_slice %arg8[%dma_start3A_104, %dma_start3A_105] : memref<800x16xf32, #tpu.memory_space<vmem>> -> memref<80x16xf32, #tpu.memory_space<vmem>>
      %dma_start3A_107 = arith.constant 0 : i32
      %dma_start3A_108 = tpu.memref_slice %arg7[%dma_start3A_103, %dma_start3A_107] : memref<10x80xi32, #tpu.memory_space<vmem>> -> memref<1x80xi32, #tpu.memory_space<vmem>>
      %dma_start3A_109 = tpu.memref_squeeze %dma_start3A_108 : memref<1x80xi32, #tpu.memory_space<vmem>> -> memref<80xi32, #tpu.memory_space<vmem>>
      %dma_start3A_110 = arith.constant 0 : i32
      %dma_start3A_111 = arith.constant 0 : i32
      %dma_start3A_112 = tpu.memref_slice %arg6[%dma_start3A_110, %dma_start3A_111] : memref<100096x16xf32, #tpu.memory_space<vmem_shared>> -> memref<100096x16xf32, #tpu.memory_space<vmem_shared>>
      tpu.enqueue_indirect_dma source(%dma_start3A_112 : memref<100096x16xf32, #tpu.memory_space<vmem_shared>>) target(%dma_start3A_106 : memref<80x16xf32, #tpu.memory_space<vmem>>) offsets(%dma_start3A_109 : memref<80xi32, #tpu.memory_space<vmem>>) semaphore(%arg11 : memref<!tpu.dma_semaphore, #tpu.memory_space<semaphore_mem>>)
      %dma_start3A_113 = arith.constant 5 : i32
      %dma_start3A_114 = arith.constant 400 : i32
      %dma_start3A_115 = arith.constant 0 : i32
      %dma_start3A_116 = tpu.memref_slice %arg8[%dma_start3A_114, %dma_start3A_115] : memref<800x16xf32, #tpu.memory_space<vmem>> -> memref<80x16xf32, #tpu.memory_space<vmem>>
      %dma_start3A_117 = arith.constant 0 : i32
      %dma_start3A_118 = tpu.memref_slice %arg7[%dma_start3A_113, %dma_start3A_117] : memref<10x80xi32, #tpu.memory_space<vmem>> -> memref<1x80xi32, #tpu.memory_space<vmem>>
      %dma_start3A_119 = tpu.memref_squeeze %dma_start3A_118 : memref<1x80xi32, #tpu.memory_space<vmem>> -> memref<80xi32, #tpu.memory_space<vmem>>
      %dma_start3A_120 = arith.constant 0 : i32
      %dma_start3A_121 = arith.constant 0 : i32
      %dma_start3A_122 = tpu.memref_slice %arg6[%dma_start3A_120, %dma_start3A_121] : memref<100096x16xf32, #tpu.memory_space<vmem_shared>> -> memref<100096x16xf32, #tpu.memory_space<vmem_shared>>
      tpu.enqueue_indirect_dma source(%dma_start3A_122 : memref<100096x16xf32, #tpu.memory_space<vmem_shared>>) target(%dma_start3A_116 : memref<80x16xf32, #tpu.memory_space<vmem>>) offsets(%dma_start3A_119 : memref<80xi32, #tpu.memory_space<vmem>>) semaphore(%arg11 : memref<!tpu.dma_semaphore, #tpu.memory_space<semaphore_mem>>)
      %dma_start3A_123 = arith.constant 6 : i32
      %dma_start3A_124 = arith.constant 480 : i32
      %dma_start3A_125 = arith.constant 0 : i32
      %dma_start3A_126 = tpu.memref_slice %arg8[%dma_start3A_124, %dma_start3A_125] : memref<800x16xf32, #tpu.memory_space<vmem>> -> memref<80x16xf32, #tpu.memory_space<vmem>>
      %dma_start3A_127 = arith.constant 0 : i32
      %dma_start3A_128 = tpu.memref_slice %arg7[%dma_start3A_123, %dma_start3A_127] : memref<10x80xi32, #tpu.memory_space<vmem>> -> memref<1x80xi32, #tpu.memory_space<vmem>>
      %dma_start3A_129 = tpu.memref_squeeze %dma_start3A_128 : memref<1x80xi32, #tpu.memory_space<vmem>> -> memref<80xi32, #tpu.memory_space<vmem>>
      %dma_start3A_130 = arith.constant 0 : i32
      %dma_start3A_131 = arith.constant 0 : i32
      %dma_start3A_132 = tpu.memref_slice %arg6[%dma_start3A_130, %dma_start3A_131] : memref<100096x16xf32, #tpu.memory_space<vmem_shared>> -> memref<100096x16xf32, #tpu.memory_space<vmem_shared>>
      tpu.enqueue_indirect_dma source(%dma_start3A_132 : memref<100096x16xf32, #tpu.memory_space<vmem_shared>>) target(%dma_start3A_126 : memref<80x16xf32, #tpu.memory_space<vmem>>) offsets(%dma_start3A_129 : memref<80xi32, #tpu.memory_space<vmem>>) semaphore(%arg11 : memref<!tpu.dma_semaphore, #tpu.memory_space<semaphore_mem>>)
      %dma_start3A_133 = arith.constant 7 : i32
      %dma_start3A_134 = arith.constant 560 : i32
      %dma_start3A_135 = arith.constant 0 : i32
      %dma_start3A_136 = tpu.memref_slice %arg8[%dma_start3A_134, %dma_start3A_135] : memref<800x16xf32, #tpu.memory_space<vmem>> -> memref<80x16xf32, #tpu.memory_space<vmem>>
      %dma_start3A_137 = arith.constant 0 : i32
      %dma_start3A_138 = tpu.memref_slice %arg7[%dma_start3A_133, %dma_start3A_137] : memref<10x80xi32, #tpu.memory_space<vmem>> -> memref<1x80xi32, #tpu.memory_space<vmem>>
      %dma_start3A_139 = tpu.memref_squeeze %dma_start3A_138 : memref<1x80xi32, #tpu.memory_space<vmem>> -> memref<80xi32, #tpu.memory_space<vmem>>
      %dma_start3A_140 = arith.constant 0 : i32
      %dma_start3A_141 = arith.constant 0 : i32
      %dma_start3A_142 = tpu.memref_slice %arg6[%dma_start3A_140, %dma_start3A_141] : memref<100096x16xf32, #tpu.memory_space<vmem_shared>> -> memref<100096x16xf32, #tpu.memory_space<vmem_shared>>
      tpu.enqueue_indirect_dma source(%dma_start3A_142 : memref<100096x16xf32, #tpu.memory_space<vmem_shared>>) target(%dma_start3A_136 : memref<80x16xf32, #tpu.memory_space<vmem>>) offsets(%dma_start3A_139 : memref<80xi32, #tpu.memory_space<vmem>>) semaphore(%arg11 : memref<!tpu.dma_semaphore, #tpu.memory_space<semaphore_mem>>)
      %dma_start3A_143 = arith.constant 8 : i32
      %dma_start3A_144 = arith.constant 640 : i32
      %dma_start3A_145 = arith.constant 0 : i32
      %dma_start3A_146 = tpu.memref_slice %arg8[%dma_start3A_144, %dma_start3A_145] : memref<800x16xf32, #tpu.memory_space<vmem>> -> memref<80x16xf32, #tpu.memory_space<vmem>>
      %dma_start3A_147 = arith.constant 0 : i32
      %dma_start3A_148 = tpu.memref_slice %arg7[%dma_start3A_143, %dma_start3A_147] : memref<10x80xi32, #tpu.memory_space<vmem>> -> memref<1x80xi32, #tpu.memory_space<vmem>>
      %dma_start3A_149 = tpu.memref_squeeze %dma_start3A_148 : memref<1x80xi32, #tpu.memory_space<vmem>> -> memref<80xi32, #tpu.memory_space<vmem>>
      %dma_start3A_150 = arith.constant 0 : i32
      %dma_start3A_151 = arith.constant 0 : i32
      %dma_start3A_152 = tpu.memref_slice %arg6[%dma_start3A_150, %dma_start3A_151] : memref<100096x16xf32, #tpu.memory_space<vmem_shared>> -> memref<100096x16xf32, #tpu.memory_space<vmem_shared>>
      tpu.enqueue_indirect_dma source(%dma_start3A_152 : memref<100096x16xf32, #tpu.memory_space<vmem_shared>>) target(%dma_start3A_146 : memref<80x16xf32, #tpu.memory_space<vmem>>) offsets(%dma_start3A_149 : memref<80xi32, #tpu.memory_space<vmem>>) semaphore(%arg11 : memref<!tpu.dma_semaphore, #tpu.memory_space<semaphore_mem>>)
      %dma_start3A_153 = arith.constant 9 : i32
      %dma_start3A_154 = arith.constant 720 : i32
      %dma_start3A_155 = arith.constant 0 : i32
      %dma_start3A_156 = tpu.memref_slice %arg8[%dma_start3A_154, %dma_start3A_155] : memref<800x16xf32, #tpu.memory_space<vmem>> -> memref<80x16xf32, #tpu.memory_space<vmem>>
      %dma_start3A_157 = arith.constant 0 : i32
      %dma_start3A_158 = tpu.memref_slice %arg7[%dma_start3A_153, %dma_start3A_157] : memref<10x80xi32, #tpu.memory_space<vmem>> -> memref<1x80xi32, #tpu.memory_space<vmem>>
      %dma_start3A_159 = tpu.memref_squeeze %dma_start3A_158 : memref<1x80xi32, #tpu.memory_space<vmem>> -> memref<80xi32, #tpu.memory_space<vmem>>
      %dma_start3A_160 = arith.constant 0 : i32
      %dma_start3A_161 = arith.constant 0 : i32
      %dma_start3A_162 = tpu.memref_slice %arg6[%dma_start3A_160, %dma_start3A_161] : memref<100096x16xf32, #tpu.memory_space<vmem_shared>> -> memref<100096x16xf32, #tpu.memory_space<vmem_shared>>
      tpu.enqueue_indirect_dma source(%dma_start3A_162 : memref<100096x16xf32, #tpu.memory_space<vmem_shared>>) target(%dma_start3A_156 : memref<80x16xf32, #tpu.memory_space<vmem>>) offsets(%dma_start3A_159 : memref<80xi32, #tpu.memory_space<vmem>>) semaphore(%arg11 : memref<!tpu.dma_semaphore, #tpu.memory_space<semaphore_mem>>)
      %add3A_163 = arith.constant 0 : i32
      %add3A_164 = arith.addi %add3A_163, %multiple_of3A_63 : i32
      "tpu.region"() ({
        %run_scoped3A = tpu.sem_alloc : memref<!tpu.dma_semaphore, #tpu.memory_space<semaphore_mem>>
        %dma_start3A_279 = arith.constant 0 : i32
        %dma_start3A_280 = tpu.memref_slice %arg9[%dma_start3A_279] : memref<2400xf32, #tpu.memory_space<vmem>> -> memref<800xf32, #tpu.memory_space<vmem>>
        %dma_start3A_281 = tpu.memref_slice %arg4[%add3A_164] : memref<3000000xf32, #tpu.memory_space<hbm>> -> memref<800xf32, #tpu.memory_space<hbm>>
        %dma_start3A_282 = arith.constant 0 : i32
        %dma_start3A_283 = tpu.memref_slice %arg9[%dma_start3A_282] : memref<2400xf32, #tpu.memory_space<vmem>> -> memref<800xf32, #tpu.memory_space<vmem>>
        %dma_start3A_284 = tpu.memref_slice %arg4[%add3A_164] : memref<3000000xf32, #tpu.memory_space<hbm>> -> memref<800xf32, #tpu.memory_space<hbm>>
        tpu.enqueue_dma source(%dma_start3A_284 : memref<800xf32, #tpu.memory_space<hbm>>) target(%dma_start3A_283 : memref<800xf32, #tpu.memory_space<vmem>>) target_semaphore(%run_scoped3A : memref<!tpu.dma_semaphore, #tpu.memory_space<semaphore_mem>>)
        %dma_wait3A_285 = arith.constant 0 : i32
        %dma_wait3A_286 = tpu.memref_slice %arg9[%dma_wait3A_285] : memref<2400xf32, #tpu.memory_space<vmem>> -> memref<800xf32, #tpu.memory_space<vmem>>
        %dma_wait3A_287 = tpu.memref_slice %arg4[%add3A_164] : memref<3000000xf32, #tpu.memory_space<hbm>> -> memref<800xf32, #tpu.memory_space<hbm>>
        %dma_wait3A_288 = arith.constant 0 : i32
        %dma_wait3A_289 = tpu.memref_slice %arg9[%dma_wait3A_288] : memref<2400xf32, #tpu.memory_space<vmem>> -> memref<800xf32, #tpu.memory_space<vmem>>
        %dma_wait3A_290 = tpu.memref_slice %arg4[%add3A_164] : memref<3000000xf32, #tpu.memory_space<hbm>> -> memref<800xf32, #tpu.memory_space<hbm>>
        tpu.wait_dma2 semaphore(%run_scoped3A : memref<!tpu.dma_semaphore, #tpu.memory_space<semaphore_mem>>) src(%dma_wait3A_290 : memref<800xf32, #tpu.memory_space<hbm>>) dst(%dma_wait3A_289 : memref<800xf32, #tpu.memory_space<vmem>>)
        tpu.yield
      }) : () -> ()
      %add3A_165 = arith.constant 1000000 : i32
      %add3A_166 = arith.addi %add3A_165, %multiple_of3A_63 : i32
      "tpu.region"() ({
        %run_scoped3A = tpu.sem_alloc : memref<!tpu.dma_semaphore, #tpu.memory_space<semaphore_mem>>
        %dma_start3A_279 = arith.constant 800 : i32
        %dma_start3A_280 = tpu.memref_slice %arg9[%dma_start3A_279] : memref<2400xf32, #tpu.memory_space<vmem>> -> memref<800xf32, #tpu.memory_space<vmem>>
        %dma_start3A_281 = tpu.memref_slice %arg4[%add3A_166] : memref<3000000xf32, #tpu.memory_space<hbm>> -> memref<800xf32, #tpu.memory_space<hbm>>
        %dma_start3A_282 = arith.constant 800 : i32
        %dma_start3A_283 = tpu.memref_slice %arg9[%dma_start3A_282] : memref<2400xf32, #tpu.memory_space<vmem>> -> memref<800xf32, #tpu.memory_space<vmem>>
        %dma_start3A_284 = tpu.memref_slice %arg4[%add3A_166] : memref<3000000xf32, #tpu.memory_space<hbm>> -> memref<800xf32, #tpu.memory_space<hbm>>
        tpu.enqueue_dma source(%dma_start3A_284 : memref<800xf32, #tpu.memory_space<hbm>>) target(%dma_start3A_283 : memref<800xf32, #tpu.memory_space<vmem>>) target_semaphore(%run_scoped3A : memref<!tpu.dma_semaphore, #tpu.memory_space<semaphore_mem>>)
        %dma_wait3A_285 = arith.constant 800 : i32
        %dma_wait3A_286 = tpu.memref_slice %arg9[%dma_wait3A_285] : memref<2400xf32, #tpu.memory_space<vmem>> -> memref<800xf32, #tpu.memory_space<vmem>>
        %dma_wait3A_287 = tpu.memref_slice %arg4[%add3A_166] : memref<3000000xf32, #tpu.memory_space<hbm>> -> memref<800xf32, #tpu.memory_space<hbm>>
        %dma_wait3A_288 = arith.constant 800 : i32
        %dma_wait3A_289 = tpu.memref_slice %arg9[%dma_wait3A_288] : memref<2400xf32, #tpu.memory_space<vmem>> -> memref<800xf32, #tpu.memory_space<vmem>>
        %dma_wait3A_290 = tpu.memref_slice %arg4[%add3A_166] : memref<3000000xf32, #tpu.memory_space<hbm>> -> memref<800xf32, #tpu.memory_space<hbm>>
        tpu.wait_dma2 semaphore(%run_scoped3A : memref<!tpu.dma_semaphore, #tpu.memory_space<semaphore_mem>>) src(%dma_wait3A_290 : memref<800xf32, #tpu.memory_space<hbm>>) dst(%dma_wait3A_289 : memref<800xf32, #tpu.memory_space<vmem>>)
        tpu.yield
      }) : () -> ()
      %add3A_167 = arith.constant 2000000 : i32
      %add3A_168 = arith.addi %add3A_167, %multiple_of3A_63 : i32
      "tpu.region"() ({
        %run_scoped3A = tpu.sem_alloc : memref<!tpu.dma_semaphore, #tpu.memory_space<semaphore_mem>>
        %dma_start3A_279 = arith.constant 1600 : i32
        %dma_start3A_280 = tpu.memref_slice %arg9[%dma_start3A_279] : memref<2400xf32, #tpu.memory_space<vmem>> -> memref<800xf32, #tpu.memory_space<vmem>>
        %dma_start3A_281 = tpu.memref_slice %arg4[%add3A_168] : memref<3000000xf32, #tpu.memory_space<hbm>> -> memref<800xf32, #tpu.memory_space<hbm>>
        %dma_start3A_282 = arith.constant 1600 : i32
        %dma_start3A_283 = tpu.memref_slice %arg9[%dma_start3A_282] : memref<2400xf32, #tpu.memory_space<vmem>> -> memref<800xf32, #tpu.memory_space<vmem>>
        %dma_start3A_284 = tpu.memref_slice %arg4[%add3A_168] : memref<3000000xf32, #tpu.memory_space<hbm>> -> memref<800xf32, #tpu.memory_space<hbm>>
        tpu.enqueue_dma source(%dma_start3A_284 : memref<800xf32, #tpu.memory_space<hbm>>) target(%dma_start3A_283 : memref<800xf32, #tpu.memory_space<vmem>>) target_semaphore(%run_scoped3A : memref<!tpu.dma_semaphore, #tpu.memory_space<semaphore_mem>>)
        %dma_wait3A_285 = arith.constant 1600 : i32
        %dma_wait3A_286 = tpu.memref_slice %arg9[%dma_wait3A_285] : memref<2400xf32, #tpu.memory_space<vmem>> -> memref<800xf32, #tpu.memory_space<vmem>>
        %dma_wait3A_287 = tpu.memref_slice %arg4[%add3A_168] : memref<3000000xf32, #tpu.memory_space<hbm>> -> memref<800xf32, #tpu.memory_space<hbm>>
        %dma_wait3A_288 = arith.constant 1600 : i32
        %dma_wait3A_289 = tpu.memref_slice %arg9[%dma_wait3A_288] : memref<2400xf32, #tpu.memory_space<vmem>> -> memref<800xf32, #tpu.memory_space<vmem>>
        %dma_wait3A_290 = tpu.memref_slice %arg4[%add3A_168] : memref<3000000xf32, #tpu.memory_space<hbm>> -> memref<800xf32, #tpu.memory_space<hbm>>
        tpu.wait_dma2 semaphore(%run_scoped3A : memref<!tpu.dma_semaphore, #tpu.memory_space<semaphore_mem>>) src(%dma_wait3A_290 : memref<800xf32, #tpu.memory_space<hbm>>) dst(%dma_wait3A_289 : memref<800xf32, #tpu.memory_space<vmem>>)
        tpu.yield
      }) : () -> ()
      %dma_wait3A = arith.constant 0 : i32
      %dma_wait3A_169 = arith.constant 0 : i32
      %dma_wait3A_170 = arith.constant 0 : i32
      %dma_wait3A_171 = tpu.memref_slice %arg8[%dma_wait3A_169, %dma_wait3A_170] : memref<800x16xf32, #tpu.memory_space<vmem>> -> memref<80x16xf32, #tpu.memory_space<vmem>>
      %dma_wait3A_172 = arith.constant 0 : i32
      %dma_wait3A_173 = tpu.memref_slice %arg7[%dma_wait3A, %dma_wait3A_172] : memref<10x80xi32, #tpu.memory_space<vmem>> -> memref<1x80xi32, #tpu.memory_space<vmem>>
      %dma_wait3A_174 = tpu.memref_squeeze %dma_wait3A_173 : memref<1x80xi32, #tpu.memory_space<vmem>> -> memref<80xi32, #tpu.memory_space<vmem>>
      %dma_wait3A_175 = arith.constant 0 : i32
      %dma_wait3A_176 = arith.constant 0 : i32
      %dma_wait3A_177 = tpu.memref_slice %arg6[%dma_wait3A_175, %dma_wait3A_176] : memref<100096x16xf32, #tpu.memory_space<vmem_shared>> -> memref<100096x16xf32, #tpu.memory_space<vmem_shared>>
      tpu.wait_indirect_dma semaphore(%arg11 : memref<!tpu.dma_semaphore, #tpu.memory_space<semaphore_mem>>) src(%dma_wait3A_177 : memref<100096x16xf32, #tpu.memory_space<vmem_shared>>) dst(%dma_wait3A_171 : memref<80x16xf32, #tpu.memory_space<vmem>>)
      %dma_wait3A_178 = arith.constant 1 : i32
      %dma_wait3A_179 = arith.constant 80 : i32
      %dma_wait3A_180 = arith.constant 0 : i32
      %dma_wait3A_181 = tpu.memref_slice %arg8[%dma_wait3A_179, %dma_wait3A_180] : memref<800x16xf32, #tpu.memory_space<vmem>> -> memref<80x16xf32, #tpu.memory_space<vmem>>
      %dma_wait3A_182 = arith.constant 0 : i32
      %dma_wait3A_183 = tpu.memref_slice %arg7[%dma_wait3A_178, %dma_wait3A_182] : memref<10x80xi32, #tpu.memory_space<vmem>> -> memref<1x80xi32, #tpu.memory_space<vmem>>
      %dma_wait3A_184 = tpu.memref_squeeze %dma_wait3A_183 : memref<1x80xi32, #tpu.memory_space<vmem>> -> memref<80xi32, #tpu.memory_space<vmem>>
      %dma_wait3A_185 = arith.constant 0 : i32
      %dma_wait3A_186 = arith.constant 0 : i32
      %dma_wait3A_187 = tpu.memref_slice %arg6[%dma_wait3A_185, %dma_wait3A_186] : memref<100096x16xf32, #tpu.memory_space<vmem_shared>> -> memref<100096x16xf32, #tpu.memory_space<vmem_shared>>
      tpu.wait_indirect_dma semaphore(%arg11 : memref<!tpu.dma_semaphore, #tpu.memory_space<semaphore_mem>>) src(%dma_wait3A_187 : memref<100096x16xf32, #tpu.memory_space<vmem_shared>>) dst(%dma_wait3A_181 : memref<80x16xf32, #tpu.memory_space<vmem>>)
      %dma_wait3A_188 = arith.constant 2 : i32
      %dma_wait3A_189 = arith.constant 160 : i32
      %dma_wait3A_190 = arith.constant 0 : i32
      %dma_wait3A_191 = tpu.memref_slice %arg8[%dma_wait3A_189, %dma_wait3A_190] : memref<800x16xf32, #tpu.memory_space<vmem>> -> memref<80x16xf32, #tpu.memory_space<vmem>>
      %dma_wait3A_192 = arith.constant 0 : i32
      %dma_wait3A_193 = tpu.memref_slice %arg7[%dma_wait3A_188, %dma_wait3A_192] : memref<10x80xi32, #tpu.memory_space<vmem>> -> memref<1x80xi32, #tpu.memory_space<vmem>>
      %dma_wait3A_194 = tpu.memref_squeeze %dma_wait3A_193 : memref<1x80xi32, #tpu.memory_space<vmem>> -> memref<80xi32, #tpu.memory_space<vmem>>
      %dma_wait3A_195 = arith.constant 0 : i32
      %dma_wait3A_196 = arith.constant 0 : i32
      %dma_wait3A_197 = tpu.memref_slice %arg6[%dma_wait3A_195, %dma_wait3A_196] : memref<100096x16xf32, #tpu.memory_space<vmem_shared>> -> memref<100096x16xf32, #tpu.memory_space<vmem_shared>>
      tpu.wait_indirect_dma semaphore(%arg11 : memref<!tpu.dma_semaphore, #tpu.memory_space<semaphore_mem>>) src(%dma_wait3A_197 : memref<100096x16xf32, #tpu.memory_space<vmem_shared>>) dst(%dma_wait3A_191 : memref<80x16xf32, #tpu.memory_space<vmem>>)
      %dma_wait3A_198 = arith.constant 3 : i32
      %dma_wait3A_199 = arith.constant 240 : i32
      %dma_wait3A_200 = arith.constant 0 : i32
      %dma_wait3A_201 = tpu.memref_slice %arg8[%dma_wait3A_199, %dma_wait3A_200] : memref<800x16xf32, #tpu.memory_space<vmem>> -> memref<80x16xf32, #tpu.memory_space<vmem>>
      %dma_wait3A_202 = arith.constant 0 : i32
      %dma_wait3A_203 = tpu.memref_slice %arg7[%dma_wait3A_198, %dma_wait3A_202] : memref<10x80xi32, #tpu.memory_space<vmem>> -> memref<1x80xi32, #tpu.memory_space<vmem>>
      %dma_wait3A_204 = tpu.memref_squeeze %dma_wait3A_203 : memref<1x80xi32, #tpu.memory_space<vmem>> -> memref<80xi32, #tpu.memory_space<vmem>>
      %dma_wait3A_205 = arith.constant 0 : i32
      %dma_wait3A_206 = arith.constant 0 : i32
      %dma_wait3A_207 = tpu.memref_slice %arg6[%dma_wait3A_205, %dma_wait3A_206] : memref<100096x16xf32, #tpu.memory_space<vmem_shared>> -> memref<100096x16xf32, #tpu.memory_space<vmem_shared>>
      tpu.wait_indirect_dma semaphore(%arg11 : memref<!tpu.dma_semaphore, #tpu.memory_space<semaphore_mem>>) src(%dma_wait3A_207 : memref<100096x16xf32, #tpu.memory_space<vmem_shared>>) dst(%dma_wait3A_201 : memref<80x16xf32, #tpu.memory_space<vmem>>)
      %dma_wait3A_208 = arith.constant 4 : i32
      %dma_wait3A_209 = arith.constant 320 : i32
      %dma_wait3A_210 = arith.constant 0 : i32
      %dma_wait3A_211 = tpu.memref_slice %arg8[%dma_wait3A_209, %dma_wait3A_210] : memref<800x16xf32, #tpu.memory_space<vmem>> -> memref<80x16xf32, #tpu.memory_space<vmem>>
      %dma_wait3A_212 = arith.constant 0 : i32
      %dma_wait3A_213 = tpu.memref_slice %arg7[%dma_wait3A_208, %dma_wait3A_212] : memref<10x80xi32, #tpu.memory_space<vmem>> -> memref<1x80xi32, #tpu.memory_space<vmem>>
      %dma_wait3A_214 = tpu.memref_squeeze %dma_wait3A_213 : memref<1x80xi32, #tpu.memory_space<vmem>> -> memref<80xi32, #tpu.memory_space<vmem>>
      %dma_wait3A_215 = arith.constant 0 : i32
      %dma_wait3A_216 = arith.constant 0 : i32
      %dma_wait3A_217 = tpu.memref_slice %arg6[%dma_wait3A_215, %dma_wait3A_216] : memref<100096x16xf32, #tpu.memory_space<vmem_shared>> -> memref<100096x16xf32, #tpu.memory_space<vmem_shared>>
      tpu.wait_indirect_dma semaphore(%arg11 : memref<!tpu.dma_semaphore, #tpu.memory_space<semaphore_mem>>) src(%dma_wait3A_217 : memref<100096x16xf32, #tpu.memory_space<vmem_shared>>) dst(%dma_wait3A_211 : memref<80x16xf32, #tpu.memory_space<vmem>>)
      %dma_wait3A_218 = arith.constant 5 : i32
      %dma_wait3A_219 = arith.constant 400 : i32
      %dma_wait3A_220 = arith.constant 0 : i32
      %dma_wait3A_221 = tpu.memref_slice %arg8[%dma_wait3A_219, %dma_wait3A_220] : memref<800x16xf32, #tpu.memory_space<vmem>> -> memref<80x16xf32, #tpu.memory_space<vmem>>
      %dma_wait3A_222 = arith.constant 0 : i32
      %dma_wait3A_223 = tpu.memref_slice %arg7[%dma_wait3A_218, %dma_wait3A_222] : memref<10x80xi32, #tpu.memory_space<vmem>> -> memref<1x80xi32, #tpu.memory_space<vmem>>
      %dma_wait3A_224 = tpu.memref_squeeze %dma_wait3A_223 : memref<1x80xi32, #tpu.memory_space<vmem>> -> memref<80xi32, #tpu.memory_space<vmem>>
      %dma_wait3A_225 = arith.constant 0 : i32
      %dma_wait3A_226 = arith.constant 0 : i32
      %dma_wait3A_227 = tpu.memref_slice %arg6[%dma_wait3A_225, %dma_wait3A_226] : memref<100096x16xf32, #tpu.memory_space<vmem_shared>> -> memref<100096x16xf32, #tpu.memory_space<vmem_shared>>
      tpu.wait_indirect_dma semaphore(%arg11 : memref<!tpu.dma_semaphore, #tpu.memory_space<semaphore_mem>>) src(%dma_wait3A_227 : memref<100096x16xf32, #tpu.memory_space<vmem_shared>>) dst(%dma_wait3A_221 : memref<80x16xf32, #tpu.memory_space<vmem>>)
      %dma_wait3A_228 = arith.constant 6 : i32
      %dma_wait3A_229 = arith.constant 480 : i32
      %dma_wait3A_230 = arith.constant 0 : i32
      %dma_wait3A_231 = tpu.memref_slice %arg8[%dma_wait3A_229, %dma_wait3A_230] : memref<800x16xf32, #tpu.memory_space<vmem>> -> memref<80x16xf32, #tpu.memory_space<vmem>>
      %dma_wait3A_232 = arith.constant 0 : i32
      %dma_wait3A_233 = tpu.memref_slice %arg7[%dma_wait3A_228, %dma_wait3A_232] : memref<10x80xi32, #tpu.memory_space<vmem>> -> memref<1x80xi32, #tpu.memory_space<vmem>>
      %dma_wait3A_234 = tpu.memref_squeeze %dma_wait3A_233 : memref<1x80xi32, #tpu.memory_space<vmem>> -> memref<80xi32, #tpu.memory_space<vmem>>
      %dma_wait3A_235 = arith.constant 0 : i32
      %dma_wait3A_236 = arith.constant 0 : i32
      %dma_wait3A_237 = tpu.memref_slice %arg6[%dma_wait3A_235, %dma_wait3A_236] : memref<100096x16xf32, #tpu.memory_space<vmem_shared>> -> memref<100096x16xf32, #tpu.memory_space<vmem_shared>>
      tpu.wait_indirect_dma semaphore(%arg11 : memref<!tpu.dma_semaphore, #tpu.memory_space<semaphore_mem>>) src(%dma_wait3A_237 : memref<100096x16xf32, #tpu.memory_space<vmem_shared>>) dst(%dma_wait3A_231 : memref<80x16xf32, #tpu.memory_space<vmem>>)
      %dma_wait3A_238 = arith.constant 7 : i32
      %dma_wait3A_239 = arith.constant 560 : i32
      %dma_wait3A_240 = arith.constant 0 : i32
      %dma_wait3A_241 = tpu.memref_slice %arg8[%dma_wait3A_239, %dma_wait3A_240] : memref<800x16xf32, #tpu.memory_space<vmem>> -> memref<80x16xf32, #tpu.memory_space<vmem>>
      %dma_wait3A_242 = arith.constant 0 : i32
      %dma_wait3A_243 = tpu.memref_slice %arg7[%dma_wait3A_238, %dma_wait3A_242] : memref<10x80xi32, #tpu.memory_space<vmem>> -> memref<1x80xi32, #tpu.memory_space<vmem>>
      %dma_wait3A_244 = tpu.memref_squeeze %dma_wait3A_243 : memref<1x80xi32, #tpu.memory_space<vmem>> -> memref<80xi32, #tpu.memory_space<vmem>>
      %dma_wait3A_245 = arith.constant 0 : i32
      %dma_wait3A_246 = arith.constant 0 : i32
      %dma_wait3A_247 = tpu.memref_slice %arg6[%dma_wait3A_245, %dma_wait3A_246] : memref<100096x16xf32, #tpu.memory_space<vmem_shared>> -> memref<100096x16xf32, #tpu.memory_space<vmem_shared>>
      tpu.wait_indirect_dma semaphore(%arg11 : memref<!tpu.dma_semaphore, #tpu.memory_space<semaphore_mem>>) src(%dma_wait3A_247 : memref<100096x16xf32, #tpu.memory_space<vmem_shared>>) dst(%dma_wait3A_241 : memref<80x16xf32, #tpu.memory_space<vmem>>)
      %dma_wait3A_248 = arith.constant 8 : i32
      %dma_wait3A_249 = arith.constant 640 : i32
      %dma_wait3A_250 = arith.constant 0 : i32
      %dma_wait3A_251 = tpu.memref_slice %arg8[%dma_wait3A_249, %dma_wait3A_250] : memref<800x16xf32, #tpu.memory_space<vmem>> -> memref<80x16xf32, #tpu.memory_space<vmem>>
      %dma_wait3A_252 = arith.constant 0 : i32
      %dma_wait3A_253 = tpu.memref_slice %arg7[%dma_wait3A_248, %dma_wait3A_252] : memref<10x80xi32, #tpu.memory_space<vmem>> -> memref<1x80xi32, #tpu.memory_space<vmem>>
      %dma_wait3A_254 = tpu.memref_squeeze %dma_wait3A_253 : memref<1x80xi32, #tpu.memory_space<vmem>> -> memref<80xi32, #tpu.memory_space<vmem>>
      %dma_wait3A_255 = arith.constant 0 : i32
      %dma_wait3A_256 = arith.constant 0 : i32
      %dma_wait3A_257 = tpu.memref_slice %arg6[%dma_wait3A_255, %dma_wait3A_256] : memref<100096x16xf32, #tpu.memory_space<vmem_shared>> -> memref<100096x16xf32, #tpu.memory_space<vmem_shared>>
      tpu.wait_indirect_dma semaphore(%arg11 : memref<!tpu.dma_semaphore, #tpu.memory_space<semaphore_mem>>) src(%dma_wait3A_257 : memref<100096x16xf32, #tpu.memory_space<vmem_shared>>) dst(%dma_wait3A_251 : memref<80x16xf32, #tpu.memory_space<vmem>>)
      %dma_wait3A_258 = arith.constant 9 : i32
      %dma_wait3A_259 = arith.constant 720 : i32
      %dma_wait3A_260 = arith.constant 0 : i32
      %dma_wait3A_261 = tpu.memref_slice %arg8[%dma_wait3A_259, %dma_wait3A_260] : memref<800x16xf32, #tpu.memory_space<vmem>> -> memref<80x16xf32, #tpu.memory_space<vmem>>
      %dma_wait3A_262 = arith.constant 0 : i32
      %dma_wait3A_263 = tpu.memref_slice %arg7[%dma_wait3A_258, %dma_wait3A_262] : memref<10x80xi32, #tpu.memory_space<vmem>> -> memref<1x80xi32, #tpu.memory_space<vmem>>
      %dma_wait3A_264 = tpu.memref_squeeze %dma_wait3A_263 : memref<1x80xi32, #tpu.memory_space<vmem>> -> memref<80xi32, #tpu.memory_space<vmem>>
      %dma_wait3A_265 = arith.constant 0 : i32
      %dma_wait3A_266 = arith.constant 0 : i32
      %dma_wait3A_267 = tpu.memref_slice %arg6[%dma_wait3A_265, %dma_wait3A_266] : memref<100096x16xf32, #tpu.memory_space<vmem_shared>> -> memref<100096x16xf32, #tpu.memory_space<vmem_shared>>
      tpu.wait_indirect_dma semaphore(%arg11 : memref<!tpu.dma_semaphore, #tpu.memory_space<semaphore_mem>>) src(%dma_wait3A_267 : memref<100096x16xf32, #tpu.memory_space<vmem_shared>>) dst(%dma_wait3A_261 : memref<80x16xf32, #tpu.memory_space<vmem>>)
      %scan3A = arith.constant 0 : i32
      %scan3A_268 = arith.constant 0 : i32
      %scan3A_269 = arith.constant 50 : i32
      %scan3A_270 = arith.addi %scan3A_268, %scan3A_269 : i32
      %scan3A_271 = arith.constant 1 : i32
      scf.for %scan3A_279 = %scan3A_268 to %scan3A_270 step %scan3A_271  : i32 {
        %mul3A_280 = arith.constant 16 : i32
        %mul3A_281 = arith.muli %scan3A_279, %mul3A_280 : i32
        %multiple_of3A_282 = tpu.assume_multiple %mul3A_281, 8 : i32
        %mul3A_283 = arith.constant 16 : i32
        %mul3A_284 = arith.muli %scan3A_279, %mul3A_283 : i32
        %add3A_285 = vector.broadcast %mul3A_284 : i32 to vector<16xi32>
        %add3A_286 = arith.addi %add3A_285, %iota3A : vector<16xi32>
        %get3A = arith.index_cast %multiple_of3A_282 : i32 to index
        %get3A_287 = tpu.vector_load %arg9[%get3A] {strides = array<i32>} : memref<2400xf32, #tpu.memory_space<vmem>>, vector<16xf32>,
        %add3A_288 = arith.constant 800 : i32
        %add3A_289 = arith.addi %add3A_288, %multiple_of3A_282 : i32
        %get3A_290 = arith.index_cast %add3A_289 : i32 to index
        %get3A_291 = tpu.vector_load %arg9[%get3A_290] {strides = array<i32>} : memref<2400xf32, #tpu.memory_space<vmem>>, vector<16xf32>,
        %add3A_292 = arith.constant 1600 : i32
        %add3A_293 = arith.addi %add3A_292, %multiple_of3A_282 : i32
        %get3A_294 = arith.index_cast %add3A_293 : i32 to index
        %get3A_295 = tpu.vector_load %arg9[%get3A_294] {strides = array<i32>} : memref<2400xf32, #tpu.memory_space<vmem>>, vector<16xf32>,
        %gather3A = tpu.vector_load_idx %arg8[%add3A_286, %broadcast_in_dim3A_1] : memref<800x16xf32, #tpu.memory_space<vmem>>[vector<16xi32>, vector<16xi32>], vector<16xf32>,
        %gather3A_296 = tpu.vector_load_idx %arg8[%add3A_286, %broadcast_in_dim3A_7] : memref<800x16xf32, #tpu.memory_space<vmem>>[vector<16xi32>, vector<16xi32>], vector<16xf32>,
        %gather3A_297 = tpu.vector_load_idx %arg8[%add3A_286, %broadcast_in_dim3A_13] : memref<800x16xf32, #tpu.memory_space<vmem>>[vector<16xi32>, vector<16xi32>], vector<16xf32>,
        %gather3A_298 = tpu.vector_load_idx %arg8[%add3A_286, %broadcast_in_dim3A_19] : memref<800x16xf32, #tpu.memory_space<vmem>>[vector<16xi32>, vector<16xi32>], vector<16xf32>,
        %mul3A_299 = arith.mulf %get3A_287, %gather3A_296 : vector<16xf32>
        %add3A_300 = arith.addf %gather3A, %mul3A_299 : vector<16xf32>
        %mul3A_301 = arith.mulf %get3A_291, %gather3A_297 : vector<16xf32>
        %add3A_302 = arith.addf %add3A_300, %mul3A_301 : vector<16xf32>
        %mul3A_303 = arith.mulf %get3A_295, %gather3A_298 : vector<16xf32>
        %add3A_304 = arith.addf %add3A_302, %mul3A_303 : vector<16xf32>
        %add3A_305 = arith.constant 0 : i32
        %add3A_306 = arith.addi %add3A_305, %multiple_of3A_282 : i32
        %swap3A = arith.index_cast %add3A_306 : i32 to index
        %swap3A_307 = tpu.vector_load %arg10[%swap3A] {strides = array<i32>} : memref<2400xf32, #tpu.memory_space<vmem>>, vector<16xf32>,
        tpu.vector_store %arg10[%swap3A], %add3A_304 {strides = array<i32>} : memref<2400xf32, #tpu.memory_space<vmem>>, vector<16xf32>,
        %gather3A_308 = tpu.vector_load_idx %arg8[%add3A_286, %broadcast_in_dim3A_3] : memref<800x16xf32, #tpu.memory_space<vmem>>[vector<16xi32>, vector<16xi32>], vector<16xf32>,
        %gather3A_309 = tpu.vector_load_idx %arg8[%add3A_286, %broadcast_in_dim3A_9] : memref<800x16xf32, #tpu.memory_space<vmem>>[vector<16xi32>, vector<16xi32>], vector<16xf32>,
        %gather3A_310 = tpu.vector_load_idx %arg8[%add3A_286, %broadcast_in_dim3A_15] : memref<800x16xf32, #tpu.memory_space<vmem>>[vector<16xi32>, vector<16xi32>], vector<16xf32>,
        %gather3A_311 = tpu.vector_load_idx %arg8[%add3A_286, %broadcast_in_dim3A_21] : memref<800x16xf32, #tpu.memory_space<vmem>>[vector<16xi32>, vector<16xi32>], vector<16xf32>,
        %mul3A_312 = arith.mulf %get3A_287, %gather3A_309 : vector<16xf32>
        %add3A_313 = arith.addf %gather3A_308, %mul3A_312 : vector<16xf32>
        %mul3A_314 = arith.mulf %get3A_291, %gather3A_310 : vector<16xf32>
        %add3A_315 = arith.addf %add3A_313, %mul3A_314 : vector<16xf32>
        %mul3A_316 = arith.mulf %get3A_295, %gather3A_311 : vector<16xf32>
        %add3A_317 = arith.addf %add3A_315, %mul3A_316 : vector<16xf32>
        %add3A_318 = arith.constant 800 : i32
        %add3A_319 = arith.addi %add3A_318, %multiple_of3A_282 : i32
        %swap3A_320 = arith.index_cast %add3A_319 : i32 to index
        %swap3A_321 = tpu.vector_load %arg10[%swap3A_320] {strides = array<i32>} : memref<2400xf32, #tpu.memory_space<vmem>>, vector<16xf32>,
        tpu.vector_store %arg10[%swap3A_320], %add3A_317 {strides = array<i32>} : memref<2400xf32, #tpu.memory_space<vmem>>, vector<16xf32>,
        %gather3A_322 = tpu.vector_load_idx %arg8[%add3A_286, %broadcast_in_dim3A_5] : memref<800x16xf32, #tpu.memory_space<vmem>>[vector<16xi32>, vector<16xi32>], vector<16xf32>,
        %gather3A_323 = tpu.vector_load_idx %arg8[%add3A_286, %broadcast_in_dim3A_11] : memref<800x16xf32, #tpu.memory_space<vmem>>[vector<16xi32>, vector<16xi32>], vector<16xf32>,
        %gather3A_324 = tpu.vector_load_idx %arg8[%add3A_286, %broadcast_in_dim3A_17] : memref<800x16xf32, #tpu.memory_space<vmem>>[vector<16xi32>, vector<16xi32>], vector<16xf32>,
        %gather3A_325 = tpu.vector_load_idx %arg8[%add3A_286, %broadcast_in_dim3A_23] : memref<800x16xf32, #tpu.memory_space<vmem>>[vector<16xi32>, vector<16xi32>], vector<16xf32>,
        %mul3A_326 = arith.mulf %get3A_287, %gather3A_323 : vector<16xf32>
        %add3A_327 = arith.addf %gather3A_322, %mul3A_326 : vector<16xf32>
        %mul3A_328 = arith.mulf %get3A_291, %gather3A_324 : vector<16xf32>
        %add3A_329 = arith.addf %add3A_327, %mul3A_328 : vector<16xf32>
        %mul3A_330 = arith.mulf %get3A_295, %gather3A_325 : vector<16xf32>
        %add3A_331 = arith.addf %add3A_329, %mul3A_330 : vector<16xf32>
        %add3A_332 = arith.constant 1600 : i32
        %add3A_333 = arith.addi %add3A_332, %multiple_of3A_282 : i32
        %swap3A_334 = arith.index_cast %add3A_333 : i32 to index
        %swap3A_335 = tpu.vector_load %arg10[%swap3A_334] {strides = array<i32>} : memref<2400xf32, #tpu.memory_space<vmem>>, vector<16xf32>,
        tpu.vector_store %arg10[%swap3A_334], %add3A_331 {strides = array<i32>} : memref<2400xf32, #tpu.memory_space<vmem>>, vector<16xf32>,
      }
      %scan3A_272 = arith.constant 50 : i32
      %add3A_273 = arith.constant 0 : i32
      %add3A_274 = arith.addi %add3A_273, %multiple_of3A_63 : i32
      "tpu.region"() ({
        %run_scoped3A = tpu.sem_alloc : memref<!tpu.dma_semaphore, #tpu.memory_space<semaphore_mem>>
        %dma_start3A_279 = arith.constant 0 : i32
        %dma_start3A_280 = tpu.memref_slice %arg10[%dma_start3A_279] : memref<2400xf32, #tpu.memory_space<vmem>> -> memref<800xf32, #tpu.memory_space<vmem>>
        %dma_start3A_281 = tpu.memref_slice %arg5[%add3A_274] : memref<3000000xf32, #tpu.memory_space<hbm>> -> memref<800xf32, #tpu.memory_space<hbm>>
        %dma_start3A_282 = tpu.memref_slice %arg5[%add3A_274] : memref<3000000xf32, #tpu.memory_space<hbm>> -> memref<800xf32, #tpu.memory_space<hbm>>
        %dma_start3A_283 = arith.constant 0 : i32
        %dma_start3A_284 = tpu.memref_slice %arg10[%dma_start3A_283] : memref<2400xf32, #tpu.memory_space<vmem>> -> memref<800xf32, #tpu.memory_space<vmem>>
        tpu.enqueue_dma source(%dma_start3A_284 : memref<800xf32, #tpu.memory_space<vmem>>) target(%dma_start3A_282 : memref<800xf32, #tpu.memory_space<hbm>>) target_semaphore(%run_scoped3A : memref<!tpu.dma_semaphore, #tpu.memory_space<semaphore_mem>>)
        %dma_wait3A_285 = arith.constant 0 : i32
        %dma_wait3A_286 = tpu.memref_slice %arg10[%dma_wait3A_285] : memref<2400xf32, #tpu.memory_space<vmem>> -> memref<800xf32, #tpu.memory_space<vmem>>
        %dma_wait3A_287 = tpu.memref_slice %arg5[%add3A_274] : memref<3000000xf32, #tpu.memory_space<hbm>> -> memref<800xf32, #tpu.memory_space<hbm>>
        %dma_wait3A_288 = tpu.memref_slice %arg5[%add3A_274] : memref<3000000xf32, #tpu.memory_space<hbm>> -> memref<800xf32, #tpu.memory_space<hbm>>
        %dma_wait3A_289 = arith.constant 0 : i32
        %dma_wait3A_290 = tpu.memref_slice %arg10[%dma_wait3A_289] : memref<2400xf32, #tpu.memory_space<vmem>> -> memref<800xf32, #tpu.memory_space<vmem>>
        tpu.wait_dma2 semaphore(%run_scoped3A : memref<!tpu.dma_semaphore, #tpu.memory_space<semaphore_mem>>) src(%dma_wait3A_290 : memref<800xf32, #tpu.memory_space<vmem>>) dst(%dma_wait3A_288 : memref<800xf32, #tpu.memory_space<hbm>>)
        tpu.yield
      }) : () -> ()
      %add3A_275 = arith.constant 1000000 : i32
      %add3A_276 = arith.addi %add3A_275, %multiple_of3A_63 : i32
      "tpu.region"() ({
        %run_scoped3A = tpu.sem_alloc : memref<!tpu.dma_semaphore, #tpu.memory_space<semaphore_mem>>
        %dma_start3A_279 = arith.constant 800 : i32
        %dma_start3A_280 = tpu.memref_slice %arg10[%dma_start3A_279] : memref<2400xf32, #tpu.memory_space<vmem>> -> memref<800xf32, #tpu.memory_space<vmem>>
        %dma_start3A_281 = tpu.memref_slice %arg5[%add3A_276] : memref<3000000xf32, #tpu.memory_space<hbm>> -> memref<800xf32, #tpu.memory_space<hbm>>
        %dma_start3A_282 = tpu.memref_slice %arg5[%add3A_276] : memref<3000000xf32, #tpu.memory_space<hbm>> -> memref<800xf32, #tpu.memory_space<hbm>>
        %dma_start3A_283 = arith.constant 800 : i32
        %dma_start3A_284 = tpu.memref_slice %arg10[%dma_start3A_283] : memref<2400xf32, #tpu.memory_space<vmem>> -> memref<800xf32, #tpu.memory_space<vmem>>
        tpu.enqueue_dma source(%dma_start3A_284 : memref<800xf32, #tpu.memory_space<vmem>>) target(%dma_start3A_282 : memref<800xf32, #tpu.memory_space<hbm>>) target_semaphore(%run_scoped3A : memref<!tpu.dma_semaphore, #tpu.memory_space<semaphore_mem>>)
        %dma_wait3A_285 = arith.constant 800 : i32
        %dma_wait3A_286 = tpu.memref_slice %arg10[%dma_wait3A_285] : memref<2400xf32, #tpu.memory_space<vmem>> -> memref<800xf32, #tpu.memory_space<vmem>>
        %dma_wait3A_287 = tpu.memref_slice %arg5[%add3A_276] : memref<3000000xf32, #tpu.memory_space<hbm>> -> memref<800xf32, #tpu.memory_space<hbm>>
        %dma_wait3A_288 = tpu.memref_slice %arg5[%add3A_276] : memref<3000000xf32, #tpu.memory_space<hbm>> -> memref<800xf32, #tpu.memory_space<hbm>>
        %dma_wait3A_289 = arith.constant 800 : i32
        %dma_wait3A_290 = tpu.memref_slice %arg10[%dma_wait3A_289] : memref<2400xf32, #tpu.memory_space<vmem>> -> memref<800xf32, #tpu.memory_space<vmem>>
        tpu.wait_dma2 semaphore(%run_scoped3A : memref<!tpu.dma_semaphore, #tpu.memory_space<semaphore_mem>>) src(%dma_wait3A_290 : memref<800xf32, #tpu.memory_space<vmem>>) dst(%dma_wait3A_288 : memref<800xf32, #tpu.memory_space<hbm>>)
        tpu.yield
      }) : () -> ()
      %add3A_277 = arith.constant 2000000 : i32
      %add3A_278 = arith.addi %add3A_277, %multiple_of3A_63 : i32
      "tpu.region"() ({
        %run_scoped3A = tpu.sem_alloc : memref<!tpu.dma_semaphore, #tpu.memory_space<semaphore_mem>>
        %dma_start3A_279 = arith.constant 1600 : i32
        %dma_start3A_280 = tpu.memref_slice %arg10[%dma_start3A_279] : memref<2400xf32, #tpu.memory_space<vmem>> -> memref<800xf32, #tpu.memory_space<vmem>>
        %dma_start3A_281 = tpu.memref_slice %arg5[%add3A_278] : memref<3000000xf32, #tpu.memory_space<hbm>> -> memref<800xf32, #tpu.memory_space<hbm>>
        %dma_start3A_282 = tpu.memref_slice %arg5[%add3A_278] : memref<3000000xf32, #tpu.memory_space<hbm>> -> memref<800xf32, #tpu.memory_space<hbm>>
        %dma_start3A_283 = arith.constant 1600 : i32
        %dma_start3A_284 = tpu.memref_slice %arg10[%dma_start3A_283] : memref<2400xf32, #tpu.memory_space<vmem>> -> memref<800xf32, #tpu.memory_space<vmem>>
        tpu.enqueue_dma source(%dma_start3A_284 : memref<800xf32, #tpu.memory_space<vmem>>) target(%dma_start3A_282 : memref<800xf32, #tpu.memory_space<hbm>>) target_semaphore(%run_scoped3A : memref<!tpu.dma_semaphore, #tpu.memory_space<semaphore_mem>>)
        %dma_wait3A_285 = arith.constant 1600 : i32
        %dma_wait3A_286 = tpu.memref_slice %arg10[%dma_wait3A_285] : memref<2400xf32, #tpu.memory_space<vmem>> -> memref<800xf32, #tpu.memory_space<vmem>>
        %dma_wait3A_287 = tpu.memref_slice %arg5[%add3A_278] : memref<3000000xf32, #tpu.memory_space<hbm>> -> memref<800xf32, #tpu.memory_space<hbm>>
        %dma_wait3A_288 = tpu.memref_slice %arg5[%add3A_278] : memref<3000000xf32, #tpu.memory_space<hbm>> -> memref<800xf32, #tpu.memory_space<hbm>>
        %dma_wait3A_289 = arith.constant 1600 : i32
        %dma_wait3A_290 = tpu.memref_slice %arg10[%dma_wait3A_289] : memref<2400xf32, #tpu.memory_space<vmem>> -> memref<800xf32, #tpu.memory_space<vmem>>
        tpu.wait_dma2 semaphore(%run_scoped3A : memref<!tpu.dma_semaphore, #tpu.memory_space<semaphore_mem>>) src(%dma_wait3A_290 : memref<800xf32, #tpu.memory_space<vmem>>) dst(%dma_wait3A_288 : memref<800xf32, #tpu.memory_space<hbm>>)
        tpu.yield
      }) : () -> ()
    }
    return
  }
}

</mosaic_0001>

<sc_bundles>
// kernel: kernel.3.cloned.1.call-start
scs
__scs_entry_jumppad:
0x0: {  	(pc) =	sbr.rel $0x88, $3  }
0x1: {  	(tag) =	ssettag $0x0;
	lr =	simm.s32 $0x1  }
0x2: {  	[smem:$0x3F9E] =	sst lr;
	_ =	strace $0xD0000000  }
0x3: {  	_ = 	snop  }
0x4: {  	_ = 	snop  }
0x5: {  	_ = 	snop  }
0x6: {  	_ = 	snop  }
0x7: {  	_ = 	snop  }
__scs_overlays_trampoline_lowered:
0x8: {  	[smem:$0x3FAD] =	sst s0  }
0x9: {  	[smem:$0x3FAE] =	sst s1  }
0xa: {  	[smem:$0x3FAF] =	sst s2  }
0xb: {  	[smem:$0x3FB0] =	sst s3  }
0xc: {  	[smem:$0x3FB1] =	sst s4  }
0xd: {  	[smem:$0x3FB2] =	sst s5  }
0xe: {  	[smem:$0x3FB3] =	sst s6  }
0xf: {  	[smem:$0x3FB4] =	sst s7  }
0x10: {  	[smem:$0x3FB5] =	sst s8  }
0x11: {  	[smem:$0x3FB6] =	sst s9;
	s0 =	simm.s32 @!p0 $0x0  }
0x12: {  	s1 =	sld [smem:$0x3F9C];
	s0 =	simm.s32 @p0 $0x1  }
0x13: {  	[smem:$0x3FB7] =	sst s0;
	s0 =	simm.s32 @!p1 $0x0  }
0x14: {  	s2 =	sld [smem:$0x3F9B];
	s0 =	simm.s32 @p1 $0x1  }
0x15: {  	[smem:$0x3FB8] =	sst s0;
	s0 =	simm.s32 @!p2 $0x0  }
0x16: {  	s3 =	sld [smem:$0x3FDB];
	s0 =	simm.s32 @p2 $0x1  }
0x17: {  	s4 =	simm.s32 $0x1BF5;
	[smem:$0x3FBA] =	sst s0  }
0x18: {  	s0 =	sld [smem:$0x3F9D];
	_ =	swait.ge [sflag:s4], $0x0  }
0x19: {  	s7 =	sld [smem:$0x3F9E]  }
0x1a: {  	s8 =	sadd.s32 $0xFFFFE003, lr  }
0x1b: {  	s9 =	sadd.s32 $0xFFFFFEF7, lr;
	s5 =	simm.s32 $0xFFFFFFFF;
	p2 =	slt.u32 s8, $0xFFFFF086  }
0x1c: {  	p1 =	slt.u32 s9, $0xF7A;
	s5 =	simm.s32 @!p2 $0x0  }
0x1d: {  	s5 =	simm.s32 @p1 $0x1;
	p0 =	seq.s32 s7, s2  }
0x1e: {  	s7 =	smul.u32 @!p0 $0xF7A, s2;
	p2 =	seq.s32 @!p0 s5, $0x0  }
0x1f: {  	s9 =	smul.u32 $0xF7A, s1;
	s8 =	simm.s32 @!p0 $0x1BF5;
	p2 =	por !p2, p0  }
0x20: {  	[sflag:s8] =	ssyncset.s32 @!p0 $0xFFFFF086;
	s6 =	sadd.s32 @!p0 s3, s7;
	s7 =	simm.s32 @!p0 $0x108  }
0x21: {  	s3 =	sadd.s32 s3, s9;
	s6 =	sadd.s32 @!p0 $0x88, s6;
	s7 =	simm.s32 @p2 $0x1082  }
0x22: {  	[simem:s7], [sflag:s8] =	dma.local @!p0 [hbm:s6], $0xF7A  }
0x23: {  	s9 =	sor.u32 $0xD0000000, s2;
	s6 =	simm.s32 $0x108;
	_ =	swait.ge @!p0 [sflag:s8], $0x0  }
0x24: {  	s3 =	sadd.s32 $0x88, s3;
	s6 =	simm.s32 @!p1 $0x1082;
	[sflag:s4] =	ssyncset.s32 $0xFFFFF086  }
0x25: {  	[simem:s6], [sflag:s4] =	dma.local [hbm:s3], $0xF7A  }
0x26: {  	[smem:$0x3F9E] =	sst s1;
	(tag) =	ssettag s2;
	_ =	strace s9  }
0x27: {  	s1 =	sld [smem:$0x3FAE]  }
0x28: {  	s2 =	sld [smem:$0x3FAF]  }
0x29: {  	s4 =	sld [smem:$0x3FB1]  }
0x2a: {  	p0 =	seq.s32 s5, $0x0;
	s5 =	sld [smem:$0x3FB2]  }
0x2b: {  	s6 =	sld [smem:$0x3FB3]  }
0x2c: {  	s7 =	sld [smem:$0x3FB4]  }
0x2d: {  	s3 =	simm.s32 $0x108;
	s8 =	sld [smem:$0x3FB5]  }
0x2e: {  	s3 =	simm.s32 @!p0 $0x1082;
	s9 =	sld [smem:$0x3FB6]  }
0x2f: {  	lr =	sadd.s32 s0, s3;
	s0 =	sld [smem:$0x3FAD]  }
0x30: {  	s3 =	sld [smem:$0x3FB0]  }
0x31: {  	[smem:$0x3FB9] =	sst s10  }
0x32: {  	s10 =	sld [smem:$0x3FB7];
	_ =	sdelay $0x3  }
0x33: {  	p0 =	seq.s32 s10, $0x1;
	s10 =	sld [smem:$0x3FB9];
	_ =	sdelay $0x3  }
0x34: {  	[smem:$0x3FB9] =	sst s10  }
0x35: {  	s10 =	sld [smem:$0x3FB8];
	_ =	sdelay $0x3  }
0x36: {  	p1 =	seq.s32 s10, $0x1;
	s10 =	sld [smem:$0x3FB9];
	_ =	sdelay $0x3  }
0x37: {  	[smem:$0x3FB9] =	sst s10  }
0x38: {  	s10 =	sld [smem:$0x3FBA]  }
0x39: {  	_ = 	snop;
	(pc) =	sbr.ind lr, $3  }
0x3a: {  	_ = 	snop  }
0x3b: {  	_ = 	snop  }
0x3c: {  	p2 =	seq.s32 s10, $0x1;
	s10 =	sld [smem:$0x3FB9]  }
0x3d: {  	_ =	shalt  }
0x3e: {  	_ =	shalt  }
0x3f: {  	_ =	shalt  }
0x40: {  	_ =	shalt  }
0x41: {  	_ =	shalt  }
0x42: {  	_ =	shalt  }
0x43: {  	_ =	shalt  }
0x44: {  	_ =	shalt  }
0x45: {  	_ =	shalt  }
0x46: {  	_ =	shalt  }
0x47: {  	_ =	shalt  }
0x48: {  	_ =	shalt  }
0x49: {  	_ =	shalt  }
0x4a: {  	_ =	shalt  }
0x4b: {  	_ =	shalt  }
0x4c: {  	_ =	shalt  }
0x4d: {  	_ =	shalt  }
0x4e: {  	_ =	shalt  }
0x4f: {  	_ =	shalt  }
0x50: {  	_ =	shalt  }
0x51: {  	_ =	shalt  }
0x52: {  	_ =	shalt  }
0x53: {  	_ =	shalt  }
0x54: {  	_ =	shalt  }
0x55: {  	_ =	shalt  }
0x56: {  	_ =	shalt  }
0x57: {  	_ =	shalt  }
0x58: {  	_ =	shalt  }
0x59: {  	_ =	shalt  }
0x5a: {  	_ =	shalt  }
0x5b: {  	_ =	shalt  }
0x5c: {  	_ =	shalt  }
0x5d: {  	_ =	shalt  }
0x5e: {  	_ =	shalt  }
0x5f: {  	_ =	shalt  }
0x60: {  	_ =	shalt  }
0x61: {  	_ =	shalt  }
0x62: {  	_ =	shalt  }
0x63: {  	_ =	shalt  }
0x64: {  	_ =	shalt  }
0x65: {  	_ =	shalt  }
0x66: {  	_ =	shalt  }
0x67: {  	_ =	shalt  }
0x68: {  	_ =	shalt  }
0x69: {  	_ =	shalt  }
0x6a: {  	_ =	shalt  }
0x6b: {  	_ =	shalt  }
0x6c: {  	_ =	shalt  }
0x6d: {  	_ =	shalt  }
0x6e: {  	_ =	shalt  }
0x6f: {  	_ =	shalt  }
0x70: {  	_ =	shalt  }
0x71: {  	_ =	shalt  }
0x72: {  	_ =	shalt  }
0x73: {  	_ =	shalt  }
0x74: {  	_ =	shalt  }
0x75: {  	_ =	shalt  }
0x76: {  	_ =	shalt  }
0x77: {  	_ =	shalt  }
0x78: {  	_ =	shalt  }
0x79: {  	_ =	shalt  }
0x7a: {  	_ =	shalt  }
0x7b: {  	_ =	shalt  }
0x7c: {  	_ =	shalt  }
0x7d: {  	_ =	shalt  }
0x7e: {  	_ =	shalt  }
0x7f: {  	_ =	shalt  }
0x80: {  	_ =	shalt  }
0x81: {  	_ =	shalt  }
0x82: {  	_ =	shalt  }
0x83: {  	_ =	shalt  }
0x84: {  	_ =	shalt  }
0x85: {  	_ =	shalt  }
0x86: {  	_ =	shalt  }
0x87: {  	_ =	shalt  }
.Lfunc_end0:
.L_simem_size_0:
called_computation_lowered:
.L_overlay_start_0:
0x88: {  	s2 =	sld [smem:$0x3FD9]  }
0x89: {  	s3 =	sld [smem:$0x3FFE];
	_ =	sdelay $0x1  }
0x8a: {  	s1 =	srdreg.scid  }
0x8b: {  	s0 =	sand.u32 $0x1, s1  }
0x8c: {  	s17 =	sshll.u32 s0, $0xA;
	s2 =	sadd.s32 s3, s2  }
0x8d: {  	s2 =	sadd.s32 s2, s17  }
0x8e: {  	[smem:$0x3FC5] =	sst s2  }
0x8f: {  	_ = 	snop  }
0x90: {  	s2 =	sld [smem:$0x3FC8]  }
0x91: {  	s18 =	sld [smem:$0x3FD0];
	(tm) =	ssettm $0x1  }
0x92: {  	s4 =	sld [smem:$0x3FFB];
	_ =	sdelay $0x3  }
0x93: {  	_ =	strace s4  }
0x94: {  	s4 =	sld [smem:$0x3FFC];
	_ =	sdelay $0x3  }
0x95: {  	_ =	strace s4  }
0x96: {  	s4 =	sld [smem:$0x3FFD];
	_ =	sdelay $0x3  }
0x97: {  	_ =	strace s4  }
0x98: {  	_ =	strace $0x8FFFFFFF  }
0x99: {  	s19 =	sld [smem:$0x3FDB];
	_ =	sdelay $0x1  }
0x9a: {  	s5 =	simm.s32 $_scs_section_size  }
0x9b: {  	s6 =	simm.s32 $_size__tile_overlayer_lowered;
	s7 =	simm.s32 $_tile_overlayer_lowered  }
0x9c: {  	s22 =	simm.s32 $0x1BFF;
	s21 =	sshll.u32 s7, $0x1;
	s4 =	sadd.s32 s5, s19  }
0x9d: {  	s8 =	simm.s32 $0x0;
	s20 =	sshll.u32 s6, $0x1;
	s6 =	sadd.s32 s21, s4  }
0x9e: {  	[timem:s8], [sflag:s22] =	dma.local [hbm:s6], s20  }
0x9f: {  	_ =	swait.ge [sflag:s22], s20  }
0xa0: {  	s5 =	ssub.s32 $0x0, s20;
	[sflag:s22] =	ssyncset.done $0x0  }
0xa1: {  	[sflag:s22] =	ssyncadd.s32 s5;
	_ =	sdelay $0x1  }
0xa2: {  	s23 =	simm.s32 $0x1B8B  }
0xa3: {  	_ =	swait.ge [sflag:s23], $0x1  }
0xa4: {  	[sflag:s23] =	ssyncset.done $0x0  }
0xa5: {  	s25 =	simm.s32 $0x1B8E;
	s24 =	sld [smem:$0x3FFE];
	[sflag:s23] =	ssyncadd.s32 $0xFFFFFFFF  }
0xa6: {  	s26 =	simm.s32 $execute0_lowered;
	[smem:$0x3FD2] =	sst s25  }
0xa7: {  	s6 =	sshll.u32 s26, $0x1;
	_ =	strace $0x80000046;
	[dreg:$0x1] =	wrdreg $0xFFFFFFFF  }
0xa8: {  	s28 =	simm.s32 $_size_execute0_lowered;
	s4 =	sadd.s32 s4, s6;
	[dreg:$0x0] =	wrdreg $0x0  }
0xa9: {  	s6 =	sshll.u32 s28, $0x1;
	[dreg:$0x2] =	wrdreg s4  }
0xaa: {  	[dreg:$0x3] =	wrdreg s6  }
0xab: {  	[dreg:$0x4] =	wrdreg $0xC0  }
0xac: {  	_ =	task [dreg:s8], $0x5FFFF  }
0xad: {  	[dreg:$0x1] =	wrdreg $0xFFFFFFFF  }
0xae: {  	[dreg:$0x0] =	wrdreg $0x60  }
0xaf: {  	[dreg:$0x2] =	wrdreg s24  }
0xb0: {  	[dreg:$0x3] =	wrdreg s2  }
0xb1: {  	[dreg:$0x4] =	wrdreg s18  }
0xb2: {  	[dreg:$0x5] =	wrdreg $0x0  }
0xb3: {  	[dreg:$0x6] =	wrdreg $0x9  }
0xb4: {  	_ =	task.clear_ibuf [dreg:s8], $0x7FFFF;
	_ =	strace $0x90000046  }
0xb5: {  	s29 =	simm.s32 $0x9;
	_ =	strace $0x80000048  }
0xb6: {  	_ =	swait.ge [sflag:s29], $0x1  }
0xb7: {  	[sflag:s29] =	ssyncadd.s32 $0xFFFFFFFF  }
0xb8: {  	_ =	strace $0x90000048  }
0xb9: {  	_ =	sfence  }
0xba: {  	s30 =	sld [smem:$0x0];
	_ =	sdelay $0x2  }
0xbb: {  	s31 =	sshll.u32 s1, $0xD;
	s1 =	sshrl.u32 s1, $0x2  }
0xbc: {  	s3 =	sand.u32 $0x4000, s31;
	s1 =	sadd.s32 s1, s30  }
0xbd: {  	s0 =	sor.u32 s3, s0;
	s1 =	sshll.u32 s1, $0x11  }
0xbe: {  	s0 =	sor.u32 s1, s0  }
0xbf: {  	s0 =	sadd.s32 $0x8F2B, s0  }
0xc0: {  	[sflag:s0] =	ssyncadd.remote.s32 $0x1  }
0xc1: {  	_ =	sfence.sel $0xFFFF  }
0xc2: {  	[dreg:$0x0] =	wrdreg $0xFFFFFFFF;
	(pc) =	sbr.abs _section_cstart, $3  }
0xc3: {  	[dreg:$0x1] =	wrdreg $0xFFFFFFFF  }
0xc4: {  	_ =	task.clear_ibuf [dreg:s8], $0x2FFFF;
	_ =	strace $0x9FFFFFFF  }
0xc5: {  	(tm) =	ssettm $0x7FFFFFFF  }
tec
execute0_lowered:
.L_overlay_start_1:
0x0: {  	(tag) =	ssettag $0x1  }
0x1: {  	s0 =	rddreg [dreg:$0x0]  }
0x2: {  	s3 =	rddreg [dreg:$0x2]  }
0x3: {  	s10 =	stileid.u32;
	s4 =	rddreg [dreg:$0x3];
	s5 =	simm.s32 $0x0  }
0x4: {  	s2 =	srdreg.scid;
	s13 =	simm.s32 $0x2;
	s14 =	simm.s32 $0x18700  }
0x5: {  	s15 =	simm.s32 $0x50;
	s16 =	simm.s32 $0x18A20;
	s30 =	simm.s32 $0x18930  }
0x6: {  	s31 =	simm.s32 $0x1AD20;
	s11 =	simm.s32 $0x1BC20;
	s12 =	simm.s32 $0x1C260  }
0x7: {  	s17 =	simm.s32 $0x1C580;
	s18 =	simm.s32 $0x1C8A0;
	s19 =	simm.s32 $0x1CBC0  }
0x8: {  	s21 =	simm.s32 $0x0;
	s1 =	smul.u32 $0x18700, s10;
	[smem:$0x7FF] =	sst s5  }
0x9: {  	s2 =	sand.u32 $0x1, s2;
	s9 =	sshll.u32 s10, $0x1;
	s26 =	sshll.u32 s10, $0x6  }
0xa: {  	_ =	strace $0x80000047;
	s7 =	ssub.s32 $0x2, s2;
	s6 =	sshrl.u32 s1, $0x3  }
0xb: {  	s24 =	sshrl.u32 s7, $0x1;
	s1 =	sadd.s32 s1, s4;
	s8 =	sadd.s32 s6, s0  }
0xc: {  	s6 =	sadd.s32 $0x32200, s0;
	s0 =	ssub.s32 s7, s24;
	s7 =	sor.u32 s9, s2  }
0xd: {  	s2 =	sor.u32 $0x1C02, s26;
	s29 =	sshrl.u32 s1, $0x3;
	s1 =	simm.s32 $0x18980  }
0xe: {  	s9 =	simm.s32 $0x1B720;
	s25 =	sadd.s32 $0x1400, s8;
	[dreg:$0x6] =	wrdreg s2  }
0xf: {  	s28 =	ssub.s32 $0x501, s7;
	s0 =	smax.u32 s0, $0x1;
	[dreg:$0x8] =	wrdreg s29  }
0x10: {  	v0 =	vlaneseq.u32;
	s8 =	simm.s32 $0x189D0;
	s2 =	simm.s32 $0x1;
	[dreg:$0x5] =	wrdreg s25  }
0x11: {  	v0 =	vmul.u32 $0x10, v0;
	s10 =	sshrl.u32 s28, $0x5;
	[dreg:$0x7] =	wrdreg s0;
	s0 =	simm.s32 $0x1B220  }
.LBB2_1:
0x12: {  	[dreg:$0x9] =	wrdreg s21  }
0x13: {  	s20 =	rddreg [dreg:$0x5]  }
0x14: {  	s29 =	rddreg [dreg:$0x6]  }
0x15: {  	s22 =	rddreg [dreg:$0x8]  }
0x16: {  	[spmem:s22], [sflag:s29] =	dma.local [hbm:s20], $0x30E0  }
0x17: {  	_ =	swait.ge [sflag:s13], $0x30E0  }
0x18: {  	[sflag:s13] =	ssyncset.done $0x0  }
0x19: {  	[sflag:s13] =	ssyncadd.s32 $0xFFFFCF20  }
0x1a: {  	s20 =	simm.s32 $0x0;
	[bflag:$0x0] =	sbarrier.arrive $0xFFFF  }
.LBB2_2:
0x1b: {  	s21 =	sshll.u32 s20, $0x5  }
0x1c: {  	s21 =	sor.u32 s7, s21  }
0x1d: {  	s23 =	smul.u32 $0x320, s21;
	_ =	sdelay $0x1  }
0x1e: {  	s22 =	rddreg [dreg:$0x1];
	s21 =	sshrl.u32 s23, $0x3  }
0x1f: {  	s25 =	simm.s32 $0x0;
	s22 =	sadd.s32 s22, s21  }
0x20: {  	[tilespmem:s14], [sflag:$0x2] =	stream.linear.gather [hbm4b:s22+s25], $0x320, $0x38;
	[tilespmem:$0x1CEE0] =	vst v63  }
0x21: {  	_ =	swait.ge [sflag:s13], $0x320  }
0x22: {  	[sflag:s13] =	ssyncset.done $0x0  }
0x23: {  	[sflag:s13] =	ssyncadd.s32 $0xFFFFFCE0  }
0x24: {  	[tilespmem:s16], [sflag:$0x1] =	stream.indirect.gather [spmem:s4], $0x10, s14, s15, $0xb8;
	[tilespmem:$0x1CEE0] =	vst v63  }
0x25: {  	s26 =	simm.s32 $0x18750;
	s24 =	simm.s32 $0x18F20  }
0x26: {  	[tilespmem:s24], [sflag:$0x1] =	stream.indirect.gather [spmem:s4], $0x10, s26, s15, $0xb8;
	[tilespmem:$0x1CEE0] =	vst v63  }
0x27: {  	s28 =	simm.s32 $0x187A0;
	s29 =	simm.s32 $0x19420  }
0x28: {  	[tilespmem:s29], [sflag:$0x1] =	stream.indirect.gather [spmem:s4], $0x10, s28, s15, $0xb8;
	[tilespmem:$0x1CEE0] =	vst v63  }
0x29: {  	s24 =	simm.s32 $0x187F0;
	s26 =	simm.s32 $0x19920  }
0x2a: {  	[tilespmem:s26], [sflag:$0x1] =	stream.indirect.gather [spmem:s4], $0x10, s24, s15, $0xb8;
	[tilespmem:$0x1CEE0] =	vst v63  }
0x2b: {  	s28 =	simm.s32 $0x18840;
	s29 =	simm.s32 $0x19E20  }
0x2c: {  	[tilespmem:s29], [sflag:$0x1] =	stream.indirect.gather [spmem:s4], $0x10, s28, s15, $0xb8;
	[tilespmem:$0x1CEE0] =	vst v63  }
0x2d: {  	s24 =	simm.s32 $0x18890;
	s26 =	simm.s32 $0x1A320  }
0x2e: {  	[tilespmem:s26], [sflag:$0x1] =	stream.indirect.gather [spmem:s4], $0x10, s24, s15, $0xb8;
	[tilespmem:$0x1CEE0] =	vst v63  }
0x2f: {  	s28 =	simm.s32 $0x188E0;
	s29 =	simm.s32 $0x1A820  }
0x30: {  	[tilespmem:s29], [sflag:$0x1] =	stream.indirect.gather [spmem:s4], $0x10, s28, s15, $0xb8;
	[tilespmem:$0x1CEE0] =	vst v63  }
0x31: {  	_ = 	snop  }
0x32: {  	[tilespmem:s31], [sflag:$0x1] =	stream.indirect.gather [spmem:s4], $0x10, s30, s15, $0xb8;
	[tilespmem:$0x1CEE0] =	vst v63  }
0x33: {  	_ = 	snop  }
0x34: {  	[tilespmem:s0], [sflag:$0x1] =	stream.indirect.gather [spmem:s4], $0x10, s1, s15, $0xb8;
	[tilespmem:$0x1CEE0] =	vst v63  }
0x35: {  	_ = 	snop  }
0x36: {  	[tilespmem:s9], [sflag:$0x1] =	stream.indirect.gather [spmem:s4], $0x10, s8, s15, $0xb8;
	[tilespmem:$0x1CEE0] =	vst v63  }
0x37: {  	s24 =	sadd.s32 s3, s21  }
0x38: {  	[tilespmem:s11], [sflag:$0x2] =	stream.linear.gather [hbm4b:s24+s25], $0x320, $0x38;
	[tilespmem:$0x1CEE0] =	vst v63  }
0x39: {  	s26 =	sadd.s32 $0xF4240, s23;
	_ =	swait.ge [sflag:s13], $0x320  }
0x3a: {  	s22 =	sshrl.u32 s26, $0x3;
	[sflag:s13] =	ssyncset.done $0x0  }
0x3b: {  	s26 =	sadd.s32 s3, s22;
	s24 =	simm.s32 $0x1BF40;
	[sflag:s13] =	ssyncadd.s32 $0xFFFFFCE0  }
0x3c: {  	[tilespmem:s24], [sflag:$0x2] =	stream.linear.gather [hbm4b:s26+s25], $0x320, $0x38;
	[tilespmem:$0x1CEE0] =	vst v63  }
0x3d: {  	s23 =	sadd.s32 $0x1E8480, s23;
	_ =	swait.ge [sflag:s13], $0x320  }
0x3e: {  	s23 =	sshrl.u32 s23, $0x3;
	[sflag:s13] =	ssyncset.done $0x0  }
0x3f: {  	s28 =	sadd.s32 s3, s23;
	[sflag:s13] =	ssyncadd.s32 $0xFFFFFCE0  }
0x40: {  	[tilespmem:s12], [sflag:$0x2] =	stream.linear.gather [hbm4b:s28+s25], $0x320, $0x38;
	[tilespmem:$0x1CEE0] =	vst v63  }
0x41: {  	_ =	swait.ge [sflag:s13], $0x320  }
0x42: {  	[sflag:s13] =	ssyncset.done $0x0  }
0x43: {  	[sflag:s13] =	ssyncadd.s32 $0xFFFFFCE0  }
0x44: {  	_ =	swait.ge [sflag:s2], $0x500  }
0x45: {  	[sflag:s2] =	ssyncset.done $0x0  }
0x46: {  	[sflag:s2] =	ssyncadd.s32 $0xFFFFFB00  }
0x47: {  	_ =	swait.ge [sflag:s2], $0x500  }
0x48: {  	[sflag:s2] =	ssyncset.done $0x0  }
0x49: {  	[sflag:s2] =	ssyncadd.s32 $0xFFFFFB00  }
0x4a: {  	_ =	swait.ge [sflag:s2], $0x500  }
0x4b: {  	[sflag:s2] =	ssyncset.done $0x0  }
0x4c: {  	[sflag:s2] =	ssyncadd.s32 $0xFFFFFB00  }
0x4d: {  	_ =	swait.ge [sflag:s2], $0x500  }
0x4e: {  	[sflag:s2] =	ssyncset.done $0x0  }
0x4f: {  	[sflag:s2] =	ssyncadd.s32 $0xFFFFFB00  }
0x50: {  	_ =	swait.ge [sflag:s2], $0x500  }
0x51: {  	[sflag:s2] =	ssyncset.done $0x0  }
0x52: {  	[sflag:s2] =	ssyncadd.s32 $0xFFFFFB00  }
0x53: {  	_ =	swait.ge [sflag:s2], $0x500  }
0x54: {  	[sflag:s2] =	ssyncset.done $0x0  }
0x55: {  	[sflag:s2] =	ssyncadd.s32 $0xFFFFFB00  }
0x56: {  	_ =	swait.ge [sflag:s2], $0x500  }
0x57: {  	[sflag:s2] =	ssyncset.done $0x0  }
0x58: {  	[sflag:s2] =	ssyncadd.s32 $0xFFFFFB00  }
0x59: {  	_ =	swait.ge [sflag:s2], $0x500  }
0x5a: {  	[sflag:s2] =	ssyncset.done $0x0  }
0x5b: {  	v1 =	vmov s25;
	[sflag:s2] =	ssyncadd.s32 $0xFFFFFB00  }
0x5c: {  	v1 =	vshll.u32 v1, $0x4;
	_ =	swait.ge [sflag:s2], $0x500  }
0x5d: {  	v1 =	vor.u32 v0, v1;
	[sflag:s2] =	ssyncset.done $0x0  }
0x5e: {  	v2 =	vor.u32 $0x3, v1;
	[sflag:s2] =	ssyncadd.s32 $0xFFFFFB00  }
0x5f: {  	_ =	swait.ge [sflag:s2], $0x500  }
0x60: {  	v3 =	vor.u32 $0x6, v1;
	[sflag:s2] =	ssyncset.done $0x0  }
0x61: {  	[sflag:s2] =	ssyncadd.s32 $0xFFFFFB00  }
0x62: {  	v4 =	vor.u32 $0x9, v1;
	v5 =	vld.idx.msk [tilespmem:v1+s16+$0x0], $0xffff  }
0x63: {  	v2 =	vld.idx.msk [tilespmem:v2+s16+$0x0], $0xffff  }
0x64: {  	v6 =	vld [tilespmem:s24+$0xFFFFFCE0]  }
0x65: {  	v3 =	vld.idx.msk [tilespmem:v3+s16+$0x0], $0xffff  }
0x66: {  	v7 =	vld [tilespmem:s24+$0x0]  }
0x67: {  	v4 =	vld.idx.msk [tilespmem:v4+s16+$0x0], $0xffff  }
0x68: {  	v8 =	vld [tilespmem:s24+$0x320]  }
0x69: {  	v2 =	vmul.f32 v2, v6;
	_ =	sdelay $0x1  }
0x6a: {  	v3 =	vmul.f32 v3, v7;
	v2 =	vadd.f32 v2, v5;
	_ =	sdelay $0x1  }
0x6b: {  	v2 =	vadd.f32 v3, v2;
	v3 =	vmul.f32 v4, v8;
	v4 =	vor.u32 $0x4, v1  }
0x6c: {  	v5 =	vor.u32 $0x7, v1  }
0x6d: {  	v2 =	vadd.f32 v3, v2;
	v3 =	vor.u32 $0x1, v1  }
0x6e: {  	s25 =	simm.s32 $0x1C8A0  }
0x6f: {  	[tilespmem:s25+$0xFFFFFCE0] =	vst v2;
	v2 =	vor.u32 $0xA, v1  }
0x70: {  	v4 =	vld.idx.msk [tilespmem:v4+s16+$0x0], $0xffff  }
0x71: {  	v5 =	vld.idx.msk [tilespmem:v5+s16+$0x0], $0xffff  }
0x72: {  	v3 =	vld.idx.msk [tilespmem:v3+s16+$0x0], $0xffff;
	_ =	sdelay $0x1  }
0x73: {  	v2 =	vld.idx.msk [tilespmem:v2+s16+$0x0], $0xffff  }
0x74: {  	v4 =	vmul.f32 v4, v6;
	_ =	sdelay $0x1  }
0x75: {  	v3 =	vadd.f32 v4, v3;
	v4 =	vmul.f32 v5, v7;
	_ =	sdelay $0x1  }
0x76: {  	v3 =	vadd.f32 v4, v3;
	v2 =	vmul.f32 v2, v8;
	v4 =	vor.u32 $0x5, v1  }
0x77: {  	v5 =	vor.u32 $0x8, v1  }
0x78: {  	v2 =	vadd.f32 v2, v3;
	v3 =	vor.u32 $0x2, v1;
	_ =	sdelay $0x1  }
0x79: {  	v1 =	vor.u32 $0xB, v1;
	[tilespmem:s25+$0x0] =	vst v2  }
0x7a: {  	v2 =	vld.idx.msk [tilespmem:v4+s16+$0x0], $0xffff  }
0x7b: {  	v4 =	vld.idx.msk [tilespmem:v5+s16+$0x0], $0xffff  }
0x7c: {  	v3 =	vld.idx.msk [tilespmem:v3+s16+$0x0], $0xffff;
	_ =	sdelay $0x1  }
0x7d: {  	v5 =	vld.idx.msk [tilespmem:v1+s16+$0x0], $0xffff  }
0x7e: {  	v1 =	vmul.f32 v2, v6  }
0x7f: {  	s29 =	simm.s32 $0x10  }
0x80: {  	v2 =	vmov s29;
	v4 =	vmul.f32 v4, v7;
	v3 =	vadd.f32 v1, v3  }
0x81: {  	v1 =	vshll.u32 v2, $0x4  }
0x82: {  	v5 =	vmul.f32 v5, v8;
	v1 =	vor.u32 v0, v1;
	v6 =	vadd.f32 v4, v3  }
0x83: {  	v4 =	vor.u32 $0x3, v1  }
0x84: {  	s26 =	simm.s32 $0x20;
	v3 =	vor.u32 $0x6, v1;
	v2 =	vor.u32 $0x9, v1;
	v5 =	vadd.f32 v5, v6  }
.LBB2_3:
0x85: {  	s24 =	sadd.s32 $0x10, s24  }
0x86: {  	s28 =	smov.u32 s26;
	s29 =	sadd.s32 $0x10, s26;
	[tilespmem:s25+$0x320] =	vst v5;
	s25 =	sadd.s32 $0x10, s25  }
0x87: {  	p0 =	sne.s32 s26, $0x310;
	v5 =	vld.idx.msk [tilespmem:v1+s16+$0x0], $0xffff  }
0x88: {  	v4 =	vld.idx.msk [tilespmem:v4+s16+$0x0], $0xffff  }
0x89: {  	v6 =	vld [tilespmem:s24+$0xFFFFFCE0]  }
0x8a: {  	v3 =	vld.idx.msk [tilespmem:v3+s16+$0x0], $0xffff  }
0x8b: {  	v7 =	vld [tilespmem:s24+$0x0]  }
0x8c: {  	v2 =	vld.idx.msk [tilespmem:v2+s16+$0x0], $0xffff  }
0x8d: {  	v8 =	vld [tilespmem:s24+$0x320]  }
0x8e: {  	v4 =	vmul.f32 v4, v6;
	_ =	sdelay $0x1  }
0x8f: {  	v4 =	vadd.f32 v4, v5;
	v3 =	vmul.f32 v3, v7;
	_ =	sdelay $0x1  }
0x90: {  	v3 =	vadd.f32 v3, v4;
	v2 =	vmul.f32 v2, v8;
	v4 =	vor.u32 $0x4, v1  }
0x91: {  	v5 =	vor.u32 $0x7, v1  }
0x92: {  	v2 =	vadd.f32 v2, v3;
	v3 =	vor.u32 $0x1, v1;
	_ =	sdelay $0x1  }
0x93: {  	[tilespmem:s25+$0xFFFFFCE0] =	vst v2;
	v2 =	vor.u32 $0xA, v1  }
0x94: {  	v4 =	vld.idx.msk [tilespmem:v4+s16+$0x0], $0xffff  }
0x95: {  	v5 =	vld.idx.msk [tilespmem:v5+s16+$0x0], $0xffff  }
0x96: {  	v3 =	vld.idx.msk [tilespmem:v3+s16+$0x0], $0xffff;
	_ =	sdelay $0x1  }
0x97: {  	v2 =	vld.idx.msk [tilespmem:v2+s16+$0x0], $0xffff;
	_ =	sdelay $0x1  }
0x98: {  	v4 =	vmul.f32 v4, v6;
	_ =	sdelay $0x1  }
0x99: {  	v3 =	vadd.f32 v4, v3;
	v4 =	vmul.f32 v5, v7;
	_ =	sdelay $0x1  }
0x9a: {  	v3 =	vadd.f32 v4, v3;
	v2 =	vmul.f32 v2, v8;
	v4 =	vor.u32 $0x5, v1  }
0x9b: {  	v5 =	vor.u32 $0x8, v1  }
0x9c: {  	v2 =	vadd.f32 v2, v3;
	v3 =	vor.u32 $0x2, v1  }
0x9d: {  	v1 =	vor.u32 $0xB, v1  }
0x9e: {  	[tilespmem:s25+$0x0] =	vst v2  }
0x9f: {  	v2 =	vld.idx.msk [tilespmem:v4+s16+$0x0], $0xffff  }
0xa0: {  	v4 =	vld.idx.msk [tilespmem:v5+s16+$0x0], $0xffff  }
0xa1: {  	v3 =	vld.idx.msk [tilespmem:v3+s16+$0x0], $0xffff  }
0xa2: {  	v5 =	vld.idx.msk [tilespmem:v1+s16+$0x0], $0xffff;
	_ =	sdelay $0x2  }
0xa3: {  	v1 =	vmul.f32 v2, v6;
	_ =	sdelay $0x1  }
.Ltmp0:
0xa4: {  	v2 =	vmov s28;
	v4 =	vmul.f32 v4, v7;
	v3 =	vadd.f32 v1, v3;
	(pc) =	sbr.rel @p0 .LBB2_3-.Ltmp0, $4  }
0xa5: {  	v1 =	vshll.u32 v2, $0x4  }
0xa6: {  	v1 =	vor.u32 v0, v1;
	v5 =	vmul.f32 v5, v8;
	v6 =	vadd.f32 v4, v3  }
0xa7: {  	v4 =	vor.u32 $0x3, v1;
	v3 =	vor.u32 $0x6, v1;
	v2 =	vor.u32 $0x9, v1  }
0xa8: {  	s26 =	smov.u32 s29;
	v5 =	vadd.f32 v5, v6  }
0xa9: {  	_ =	sdelay $0x2  }
0xaa: {  	[tilespmem:s25+$0x320] =	vst v5  }
0xab: {  	v5 =	vld.idx.msk [tilespmem:v1+s16+$0x0], $0xffff  }
0xac: {  	s24 =	sadd.s32 $0x10, s24;
	v4 =	vld.idx.msk [tilespmem:v4+s16+$0x0], $0xffff  }
0xad: {  	v6 =	vld [tilespmem:s24+$0xFFFFFCE0]  }
0xae: {  	v3 =	vld.idx.msk [tilespmem:v3+s16+$0x0], $0xffff  }
0xaf: {  	v7 =	vld [tilespmem:s24+$0x0]  }
0xb0: {  	v2 =	vld.idx.msk [tilespmem:v2+s16+$0x0], $0xffff  }
0xb1: {  	v8 =	vld [tilespmem:s24+$0x320]  }
0xb2: {  	v4 =	vmul.f32 v4, v6;
	_ =	sdelay $0x1  }
0xb3: {  	v3 =	vmul.f32 v3, v7;
	v4 =	vadd.f32 v4, v5;
	_ =	sdelay $0x1  }
0xb4: {  	v58 =	vor.u32 $0x4, v1;
	v2 =	vmul.f32 v2, v8;
	v3 =	vadd.f32 v3, v4  }
0xb5: {  	v59 =	vor.u32 $0x7, v1  }
0xb6: {  	v2 =	vadd.f32 v2, v3;
	v3 =	vor.u32 $0x1, v1  }
0xb7: {  	s26 =	sadd.s32 $0x10, s25  }
0xb8: {  	[tilespmem:s26+$0xFFFFFCE0] =	vst v2;
	v2 =	vor.u32 $0xA, v1  }
0xb9: {  	v4 =	vld.idx.msk [tilespmem:v58+s16+$0x0], $0xffff  }
0xba: {  	v5 =	vld.idx.msk [tilespmem:v59+s16+$0x0], $0xffff  }
0xbb: {  	v3 =	vld.idx.msk [tilespmem:v3+s16+$0x0], $0xffff;
	_ =	sdelay $0x1  }
0xbc: {  	v2 =	vld.idx.msk [tilespmem:v2+s16+$0x0], $0xffff  }
0xbd: {  	v4 =	vmul.f32 v4, v6;
	_ =	sdelay $0x1  }
0xbe: {  	v60 =	vmul.f32 v5, v7;
	v3 =	vadd.f32 v4, v3;
	_ =	sdelay $0x1  }
0xbf: {  	v61 =	vor.u32 $0x5, v1;
	v3 =	vadd.f32 v60, v3;
	v2 =	vmul.f32 v2, v8  }
0xc0: {  	v62 =	vor.u32 $0x8, v1  }
0xc1: {  	v2 =	vadd.f32 v2, v3;
	v3 =	vor.u32 $0x2, v1;
	_ =	sdelay $0x1  }
0xc2: {  	v1 =	vor.u32 $0xB, v1;
	[tilespmem:s26+$0x0] =	vst v2  }
0xc3: {  	v2 =	vld.idx.msk [tilespmem:v61+s16+$0x0], $0xffff  }
0xc4: {  	v63 =	vld.idx.msk [tilespmem:v62+s16+$0x0], $0xffff  }
0xc5: {  	v3 =	vld.idx.msk [tilespmem:v3+s16+$0x0], $0xffff;
	_ =	sdelay $0x1  }
0xc6: {  	v1 =	vld.idx.msk [tilespmem:v1+s16+$0x0], $0xffff  }
0xc7: {  	v2 =	vmul.f32 v2, v6;
	_ =	sdelay $0x1  }
0xc8: {  	v2 =	vadd.f32 v2, v3;
	v3 =	vmul.f32 v63, v7;
	_ =	sdelay $0x1  }
0xc9: {  	v1 =	vmul.f32 v1, v8;
	v2 =	vadd.f32 v3, v2;
	_ =	sdelay $0x1  }
0xca: {  	v1 =	vadd.f32 v1, v2;
	_ =	sdelay $0x1  }
0xcb: {  	s21 =	sadd.s32 s6, s21;
	[tilespmem:s26+$0x320] =	vst v1  }
0xcc: {  	[hbm4b:s21+s5] =	stream.linear.scatter [tilespmem:s17], [sflag:$0x2], $0x320, $0x38;
	[tilespmem:$0x1CEE0] =	vst v63  }
0xcd: {  	_ =	swait.ge [sflag:s13], $0x320  }
0xce: {  	[sflag:s13] =	ssyncset.done $0x0  }
0xcf: {  	s28 =	sadd.s32 s6, s22;
	[sflag:s13] =	ssyncadd.s32 $0xFFFFFCE0  }
0xd0: {  	[hbm4b:s28+s5] =	stream.linear.scatter [tilespmem:s18], [sflag:$0x2], $0x320, $0x38;
	[tilespmem:$0x1CEE0] =	vst v63  }
0xd1: {  	s20 =	sadd.s32 $0x1, s20;
	_ =	swait.ge [sflag:s13], $0x320  }
0xd2: {  	p0 =	sne.s32 s20, s10;
	[sflag:s13] =	ssyncset.done $0x0  }
.Ltmp1:
0xd3: {  	s29 =	sadd.s32 s6, s23;
	[sflag:s13] =	ssyncadd.s32 $0xFFFFFCE0;
	(pc) =	sbr.rel @p0 .LBB2_2-.Ltmp1, $4  }
0xd4: {  	[hbm4b:s29+s5] =	stream.linear.scatter [tilespmem:s19], [sflag:$0x2], $0x320, $0x38;
	[tilespmem:$0x1CEE0] =	vst v63  }
0xd5: {  	_ =	swait.ge [sflag:s13], $0x320  }
0xd6: {  	[sflag:s13] =	ssyncset.done $0x0  }
0xd7: {  	[sflag:s13] =	ssyncadd.s32 $0xFFFFFCE0  }
0xd8: {  	s21 =	rddreg [dreg:$0x9]  }
0xd9: {  	s20 =	rddreg [dreg:$0x7];
	s21 =	sadd.s32 $0x1, s21  }
0xda: {  	p0 =	sne.s32 s21, s20  }
.Ltmp2:
0xdb: {  	_ = 	snop;
	(pc) =	sbr.rel @p0 .LBB2_1-.Ltmp2, $1  }
0xdc: {  	_ =	sdelay $0x3  }
0xdd: {  	_ =	sfence.sel $0x180000  }
0xde: {  	[bflag:$0x0] =	sbarrier.arrive $0xFFFF  }
0xdf: {  	_ =	strace $0x90000047  }
0xe0: {  	s0 =	stileid.u32;
	[bflag:$0x2] =	sbarrier.arrive $0xFFFF  }
0xe1: {  	p0 =	sne.s32 s0, $0x0;
	s0 =	rddreg [dreg:$0x4]  }
0xe2: {  	s0 =	sadd.s32 @!p0 $0x100000, s0  }
0xe3: {  	[sflag:s0] =	ssyncadd.tile.s32 @!p0 $0x1;
	_ =	shalt  }
.Lfunc_end2:
_tile_overlayer_lowered:
.L_overlay_start_2:
0xe4: {  	(tag) =	ssettag $0x2  }
0xe5: {  	s0 =	rddreg [dreg:$0x0];
	s2 =	stileid.u32  }
0xe6: {  	s1 =	rddreg [dreg:$0x1];
	p0 =	sne.s32 s2, $0x0  }
0xe7: {  	s3 =	rddreg [dreg:$0x2];
	[bflag:$0x3] =	sbarrier.arrive $0xFFFF;
	s2 =	simm.s32 @!p0 $0x1C02  }
0xe8: {  	[timem:s3], [sflag:s2] =	dma.local @!p0 [hbm:s0], s1  }
0xe9: {  	s0 =	simm.s32 @!p0 $0x2  }
0xea: {  	_ =	swait.ge @!p0 [sflag:s0], s1  }
0xeb: {  	s1 =	ssub.s32 @!p0 $0x0, s1;
	[sflag:s0] =	ssyncset.done @!p0 $0x0  }
0xec: {  	[sflag:s0] =	ssyncadd.s32 @!p0 s1  }
0xed: {  	[bflag:$0x3] =	sbarrier.arrive $0xFFFF  }
0xee: {  	_ =	shalt  }

</sc_bundles>
